<compile_context>
chip_gen: v7x
topology: tpu7x:2x2x1
jax: 0.10.2.dev20260603
libtpu: 0.0.44.dev20260713+nightly
codegen_flags: <defaults>
</compile_context>

<pallas_src>
import functools

import jax
import jax.numpy as jnp
from jax import lax
from jax.experimental import pallas as pl
from jax.experimental.pallas import tpu as pltpu
from jax.experimental.pallas import tpu_sc as plsc

L = 16


def _build_sc_kernel(N, M, K):
    NW = 32
    cols_per_w = M // NW
    nchunk = 5
    chunk_rows = N // nchunk
    kv = cols_per_w // L
    K_pad = -(-K // L) * L

    mesh = plsc.VectorSubcoreMesh(core_axis_name="c", subcore_axis_name="s")

    @functools.partial(
        pl.kernel,
        mesh=mesh,
        compiler_params=pltpu.CompilerParams(needs_layout_passes=False),
        out_type=jax.ShapeDtypeStruct((N, M), jnp.float32),
        scratch_types=[
            pltpu.VMEM((2 * L,), jnp.float32),
            pltpu.VMEM((K_pad,), jnp.int32),
            pltpu.VMEM((N,), jnp.float32),
            pltpu.VMEM((N,), jnp.float32),
            pltpu.VMEM((chunk_rows, cols_per_w), jnp.float32),
            pltpu.VMEM((chunk_rows, cols_per_w), jnp.float32),
            pltpu.VMEM((chunk_rows, cols_per_w), jnp.float32),
            pltpu.VMEM((chunk_rows, cols_per_w), jnp.float32),
            pltpu.SemaphoreType.DMA,
            pltpu.SemaphoreType.DMA,
            pltpu.SemaphoreType.DMA,
            pltpu.SemaphoreType.DMA,
        ],
    )
    def sc_kernel(xt_hbm, ab_hbm, clss_hbm, out_hbm,
                  ab_v, clss_v, a_v, b_v, in0, in1, out0, out1,
                  isem0, isem1, osem0, osem1):
        wid = lax.axis_index("s") * 2 + lax.axis_index("c")
        col0 = wid * cols_per_w

        ins = [in0, in1]
        outs = [out0, out1]
        isems = [isem0, isem1]
        osems = [osem0, osem1]

        for c in range(2):
            pltpu.async_copy(
                xt_hbm.at[pl.ds(c * chunk_rows, chunk_rows),
                          pl.ds(col0, cols_per_w)],
                ins[c], isems[c])

        pltpu.sync_copy(ab_hbm, ab_v)
        pltpu.sync_copy(clss_hbm, clss_v.at[pl.ds(0, K)])

        ones = jnp.full((L,), 1.0, jnp.float32)

        @plsc.parallel_loop(0, N // L)
        def init_body(i):
            a_v[pl.ds(i * L, L)] = ones
            b_v[pl.ds(i * L, L)] = ones

        zero16 = jnp.zeros((L,), jnp.int32)
        alpha_vec = ab_v[pl.ds(0, L)]
        beta_vec = ab_v[pl.ds(L, L)]
        lane = lax.iota(jnp.int32, L)
        for k in range(K_pad // L):
            idx = clss_v[pl.ds(k * L, L)]
            mask = (lane + (k * L)) < K
            plsc.store_scatter(a_v, [idx], alpha_vec, mask=mask)
            plsc.store_scatter(b_v, [idx], beta_vec, mask=mask)

        def do_chunk(c, b):
            row0 = pl.multiple_of(c * chunk_rows, 8)
            pltpu.make_async_copy(
                xt_hbm.at[pl.ds(row0, chunk_rows),
                          pl.ds(col0, cols_per_w)],
                ins[b], isems[b]).wait()

            @pl.when(c >= 2)
            def _wait_out(b=b, c=c):
                prev0 = pl.multiple_of((c - 2) * chunk_rows, 8)
                pltpu.make_async_copy(
                    outs[b],
                    out_hbm.at[pl.ds(prev0, chunk_rows),
                               pl.ds(col0, cols_per_w)],
                    osems[b]).wait()

            @plsc.parallel_loop(0, chunk_rows)
            def row_body(i, b=b, row0=row0):
                jv = zero16 + (row0 + i)
                av = plsc.load_gather(a_v, [jv])
                bv = plsc.load_gather(b_v, [jv])
                for k in range(kv):
                    outs[b][i, pl.ds(k * L, L)] = (
                        av * ins[b][i, pl.ds(k * L, L)] + bv)

            pltpu.async_copy(
                outs[b],
                out_hbm.at[pl.ds(row0, chunk_rows),
                           pl.ds(col0, cols_per_w)],
                osems[b])

            @pl.when(c + 2 < nchunk)
            def _start_next(b=b, c=c):
                nxt0 = pl.multiple_of((c + 2) * chunk_rows, 8)
                pltpu.async_copy(
                    xt_hbm.at[pl.ds(nxt0, chunk_rows),
                              pl.ds(col0, cols_per_w)],
                    ins[b], isems[b])

        @pl.loop(0, nchunk - 1, step=2)
        def group_body(g):
            for b in (0, 1):
                do_chunk(g + b, b)

        do_chunk(nchunk - 1, (nchunk - 1) % 2)

        for c in (nchunk - 2, nchunk - 1):
            b = c % 2
            pltpu.make_async_copy(
                outs[b],
                out_hbm.at[pl.ds(c * chunk_rows, chunk_rows),
                           pl.ds(col0, cols_per_w)],
                osems[b]).wait()

    return sc_kernel


def kernel(x, alpha, beta, clss):
    R, C = x.shape
    K = clss.shape[0]
    assert R % (32 * L) == 0 and C % 5 == 0 and (C // 5) % 8 == 0

    ab = jnp.concatenate([
        jnp.broadcast_to(alpha.astype(jnp.float32), (L,)),
        jnp.broadcast_to(beta.astype(jnp.float32), (L,)),
    ])
    sc = _build_sc_kernel(C, R, K)
    out_t = sc(x.T, ab, clss.astype(jnp.int32))
    return out_t.T

# --- scband reference (transcript-rebuilt; emitter-appended) ---
"""Pipeline reference for scband-bias-layer-2181843387085 (READ-ONLY COPY).

The authoritative reference and input builder live on the scoring server;
editing this copy changes nothing except your own understanding.
"""

import jax, jax.numpy as jnp
import numpy as np


def setup_inputs(seed: int = 0) -> dict:
    key = jax.random.key(seed)
    x = jax.random.normal(key, (4096, 1000), dtype=jnp.float32)
    # learned parameters per __init__: alpha=ones(1), beta=zeros(1)
    alpha = jnp.ones((1,), dtype=jnp.float32)
    beta = jnp.zeros((1,), dtype=jnp.float32)
    # clss buffer: the new-task class columns (last 50 of 1000)
    clss = jnp.arange(950, 1000, dtype=jnp.int32)
    return {"x": x, "alpha": alpha, "beta": beta, "clss": clss}


def reference(x, alpha, beta, clss):
    # alpha_mat = ones_like(x); alpha_mat[:, clss] = alpha
    a = jnp.ones_like(x).at[:, clss].set(alpha)
    # NOTE: faithful to torch code: beta matrix is initialized with ONES
    # (torch.ones_like), then clss columns overwritten with self.beta.
    b = jnp.ones_like(x).at[:, clss].set(beta)
    return a * x + b

if __name__ == "__main__":
    import jax
    _d = setup_inputs()
    print(jax.jit(kernel)(*tuple(_d.values())))

</pallas_src>

<mosaic_0001>
#map = affine_map<(d0, d1) -> (0, 0)>
#map1 = affine_map<(d0, d1) -> (0)>
module attributes {stable_mosaic.version = 14 : i64} {
  func.func @sc_kernel(%arg0: i32, %arg1: i32, %arg2: memref<1000x4096xf32, #tpu.memory_space<hbm>>, %arg3: memref<32xf32, #tpu.memory_space<hbm>>, %arg4: memref<50xi32, #tpu.memory_space<hbm>>, %arg5: memref<1000x4096xf32, #tpu.memory_space<hbm>>, %arg6: memref<32xf32, #tpu.memory_space<vmem>>, %arg7: memref<64xi32, #tpu.memory_space<vmem>>, %arg8: memref<1000xf32, #tpu.memory_space<vmem>>, %arg9: memref<1000xf32, #tpu.memory_space<vmem>>, %arg10: memref<200x128xf32, #tpu.memory_space<vmem>>, %arg11: memref<200x128xf32, #tpu.memory_space<vmem>>, %arg12: memref<200x128xf32, #tpu.memory_space<vmem>>, %arg13: memref<200x128xf32, #tpu.memory_space<vmem>>, %arg14: memref<!tpu.dma_semaphore, #tpu.memory_space<semaphore_mem>>, %arg15: memref<!tpu.dma_semaphore, #tpu.memory_space<semaphore_mem>>, %arg16: memref<!tpu.dma_semaphore, #tpu.memory_space<semaphore_mem>>, %arg17: memref<!tpu.dma_semaphore, #tpu.memory_space<semaphore_mem>>) attributes {dimension_semantics = [#tpu.dimension_semantics<core_parallel>, #tpu.dimension_semantics<subcore_parallel>], iteration_bounds = array<i64: 2, 16>, scalar_prefetch = 0 : i64, scratch_operands = 12 : i64, tpu.core_type = #tpu.core_type<sc_vector_subcore>, window_params = [{transform_indices = #map}, {transform_indices = #map1}, {transform_indices = #map1}, {transform_indices = #map}]} {
    %mul3A = arith.constant 2 : i32
    %mul3A_0 = arith.muli %arg1, %mul3A : i32
    %add3A = arith.addi %mul3A_0, %arg0 : i32
    %mul3A_1 = arith.constant 128 : i32
    %mul3A_2 = arith.muli %add3A, %mul3A_1 : i32
    %dma_start3A = arith.constant 0 : i32
    %dma_start3A_3 = tpu.memref_slice %arg2[%dma_start3A, %mul3A_2] : memref<1000x4096xf32, #tpu.memory_space<hbm>> -> memref<200x128xf32, #tpu.memory_space<hbm>>
    %dma_start3A_4 = arith.constant 0 : i32
    %dma_start3A_5 = tpu.memref_slice %arg2[%dma_start3A_4, %mul3A_2] : memref<1000x4096xf32, #tpu.memory_space<hbm>> -> memref<200x128xf32, #tpu.memory_space<hbm>>
    tpu.enqueue_dma source(%dma_start3A_5 : memref<200x128xf32, #tpu.memory_space<hbm>>) target(%arg10 : memref<200x128xf32, #tpu.memory_space<vmem>>) target_semaphore(%arg14 : memref<!tpu.dma_semaphore, #tpu.memory_space<semaphore_mem>>)
    %dma_start3A_6 = arith.constant 200 : i32
    %dma_start3A_7 = tpu.memref_slice %arg2[%dma_start3A_6, %mul3A_2] : memref<1000x4096xf32, #tpu.memory_space<hbm>> -> memref<200x128xf32, #tpu.memory_space<hbm>>
    %dma_start3A_8 = arith.constant 200 : i32
    %dma_start3A_9 = tpu.memref_slice %arg2[%dma_start3A_8, %mul3A_2] : memref<1000x4096xf32, #tpu.memory_space<hbm>> -> memref<200x128xf32, #tpu.memory_space<hbm>>
    tpu.enqueue_dma source(%dma_start3A_9 : memref<200x128xf32, #tpu.memory_space<hbm>>) target(%arg11 : memref<200x128xf32, #tpu.memory_space<vmem>>) target_semaphore(%arg15 : memref<!tpu.dma_semaphore, #tpu.memory_space<semaphore_mem>>)
    "tpu.region"() ({
      %run_scoped3A = tpu.sem_alloc : memref<!tpu.dma_semaphore, #tpu.memory_space<semaphore_mem>>
      tpu.enqueue_dma source(%arg3 : memref<32xf32, #tpu.memory_space<hbm>>) target(%arg6 : memref<32xf32, #tpu.memory_space<vmem>>) target_semaphore(%run_scoped3A : memref<!tpu.dma_semaphore, #tpu.memory_space<semaphore_mem>>)
      tpu.wait_dma2 semaphore(%run_scoped3A : memref<!tpu.dma_semaphore, #tpu.memory_space<semaphore_mem>>) src(%arg3 : memref<32xf32, #tpu.memory_space<hbm>>) dst(%arg6 : memref<32xf32, #tpu.memory_space<vmem>>)
      tpu.yield
    }) : () -> ()
    "tpu.region"() ({
      %run_scoped3A = tpu.sem_alloc : memref<!tpu.dma_semaphore, #tpu.memory_space<semaphore_mem>>
      %dma_start3A_72 = arith.constant 0 : i32
      %dma_start3A_73 = tpu.memref_slice %arg7[%dma_start3A_72] : memref<64xi32, #tpu.memory_space<vmem>> -> memref<50xi32, #tpu.memory_space<vmem>>
      %dma_start3A_74 = arith.constant 0 : i32
      %dma_start3A_75 = tpu.memref_slice %arg7[%dma_start3A_74] : memref<64xi32, #tpu.memory_space<vmem>> -> memref<50xi32, #tpu.memory_space<vmem>>
      tpu.enqueue_dma source(%arg4 : memref<50xi32, #tpu.memory_space<hbm>>) target(%dma_start3A_75 : memref<50xi32, #tpu.memory_space<vmem>>) target_semaphore(%run_scoped3A : memref<!tpu.dma_semaphore, #tpu.memory_space<semaphore_mem>>)
      %dma_wait3A_76 = arith.constant 0 : i32
      %dma_wait3A_77 = tpu.memref_slice %arg7[%dma_wait3A_76] : memref<64xi32, #tpu.memory_space<vmem>> -> memref<50xi32, #tpu.memory_space<vmem>>
      %dma_wait3A_78 = arith.constant 0 : i32
      %dma_wait3A_79 = tpu.memref_slice %arg7[%dma_wait3A_78] : memref<64xi32, #tpu.memory_space<vmem>> -> memref<50xi32, #tpu.memory_space<vmem>>
      tpu.wait_dma2 semaphore(%run_scoped3A : memref<!tpu.dma_semaphore, #tpu.memory_space<semaphore_mem>>) src(%arg4 : memref<50xi32, #tpu.memory_space<hbm>>) dst(%dma_wait3A_79 : memref<50xi32, #tpu.memory_space<vmem>>)
      tpu.yield
    }) : () -> ()
    %broadcast_in_dim3A = arith.constant 1.000000e+00 : f32
    %broadcast_in_dim3A_10 = vector.broadcast %broadcast_in_dim3A : f32 to vector<16xf32>
    %parallel_loop3A = arith.constant 0 : i32
    %parallel_loop3A_11 = arith.constant 62 : i32
    %parallel_loop3A_12 = arith.constant 1 : i32
    scf.for %parallel_loop3A_72 = %parallel_loop3A to %parallel_loop3A_11 step %parallel_loop3A_12  : i32 {
      %parallel_loop3A_73 = arith.constant 16 : i32
      %parallel_loop3A_74 = arith.muli %parallel_loop3A_72, %parallel_loop3A_73 : i32
      %parallel_loop3A_75 = arith.index_cast %parallel_loop3A_74 : i32 to index
      %parallel_loop3A_76 = tpu.vector_load %arg8[%parallel_loop3A_75] {strides = array<i32>} : memref<1000xf32, #tpu.memory_space<vmem>>, vector<16xf32>,
      tpu.vector_store %arg8[%parallel_loop3A_75], %broadcast_in_dim3A_10 {strides = array<i32>} : memref<1000xf32, #tpu.memory_space<vmem>>, vector<16xf32>,
      %parallel_loop3A_77 = arith.constant 16 : i32
      %parallel_loop3A_78 = arith.muli %parallel_loop3A_72, %parallel_loop3A_77 : i32
      %parallel_loop3A_79 = arith.index_cast %parallel_loop3A_78 : i32 to index
      %parallel_loop3A_80 = tpu.vector_load %arg9[%parallel_loop3A_79] {strides = array<i32>} : memref<1000xf32, #tpu.memory_space<vmem>>, vector<16xf32>,
      tpu.vector_store %arg9[%parallel_loop3A_79], %broadcast_in_dim3A_10 {strides = array<i32>} : memref<1000xf32, #tpu.memory_space<vmem>>, vector<16xf32>,
    } {sc.loop_unroll_factor = 1 : i64, sc.parallel_access}
    %broadcast_in_dim3A_13 = arith.constant 0 : i32
    %broadcast_in_dim3A_14 = vector.broadcast %broadcast_in_dim3A_13 : i32 to vector<16xi32>
    %get3A = arith.constant 0 : index
    %get3A_15 = tpu.vector_load %arg6[%get3A] {strides = array<i32>} : memref<32xf32, #tpu.memory_space<vmem>>, vector<16xf32>,
    %get3A_16 = arith.constant 16 : index
    %get3A_17 = tpu.vector_load %arg6[%get3A_16] {strides = array<i32>} : memref<32xf32, #tpu.memory_space<vmem>>, vector<16xf32>,
    %iota3A = tpu.iota {dimensions = array<i32: 0>} : vector<16xi32>
    %get3A_18 = arith.constant 0 : index
    %get3A_19 = tpu.vector_load %arg7[%get3A_18] {strides = array<i32>} : memref<64xi32, #tpu.memory_space<vmem>>, vector<16xi32>,
    %add3A_20 = arith.constant 0 : i32
    %add3A_21 = vector.broadcast %add3A_20 : i32 to vector<16xi32>
    %add3A_22 = arith.addi %iota3A, %add3A_21 : vector<16xi32>
    %lt3A = arith.constant 50 : i32
    %lt3A_23 = vector.broadcast %lt3A : i32 to vector<16xi32>
    %lt3A_24 = arith.cmpi slt, %add3A_22, %lt3A_23 : vector<16xi32>
    tpu.vector_store_idx %arg8[%get3A_19], %get3A_15 masked %lt3A_24 : memref<1000xf32, #tpu.memory_space<vmem>>[vector<16xi32>], vector<16xf32>, vector<16xi1>
    tpu.vector_store_idx %arg9[%get3A_19], %get3A_17 masked %lt3A_24 : memref<1000xf32, #tpu.memory_space<vmem>>[vector<16xi32>], vector<16xf32>, vector<16xi1>
    %get3A_25 = arith.constant 16 : index
    %get3A_26 = tpu.vector_load %arg7[%get3A_25] {strides = array<i32>} : memref<64xi32, #tpu.memory_space<vmem>>, vector<16xi32>,
    %add3A_27 = arith.constant 16 : i32
    %add3A_28 = vector.broadcast %add3A_27 : i32 to vector<16xi32>
    %add3A_29 = arith.addi %iota3A, %add3A_28 : vector<16xi32>
    %lt3A_30 = arith.constant 50 : i32
    %lt3A_31 = vector.broadcast %lt3A_30 : i32 to vector<16xi32>
    %lt3A_32 = arith.cmpi slt, %add3A_29, %lt3A_31 : vector<16xi32>
    tpu.vector_store_idx %arg8[%get3A_26], %get3A_15 masked %lt3A_32 : memref<1000xf32, #tpu.memory_space<vmem>>[vector<16xi32>], vector<16xf32>, vector<16xi1>
    tpu.vector_store_idx %arg9[%get3A_26], %get3A_17 masked %lt3A_32 : memref<1000xf32, #tpu.memory_space<vmem>>[vector<16xi32>], vector<16xf32>, vector<16xi1>
    %get3A_33 = arith.constant 32 : index
    %get3A_34 = tpu.vector_load %arg7[%get3A_33] {strides = array<i32>} : memref<64xi32, #tpu.memory_space<vmem>>, vector<16xi32>,
    %add3A_35 = arith.constant 32 : i32
    %add3A_36 = vector.broadcast %add3A_35 : i32 to vector<16xi32>
    %add3A_37 = arith.addi %iota3A, %add3A_36 : vector<16xi32>
    %lt3A_38 = arith.constant 50 : i32
    %lt3A_39 = vector.broadcast %lt3A_38 : i32 to vector<16xi32>
    %lt3A_40 = arith.cmpi slt, %add3A_37, %lt3A_39 : vector<16xi32>
    tpu.vector_store_idx %arg8[%get3A_34], %get3A_15 masked %lt3A_40 : memref<1000xf32, #tpu.memory_space<vmem>>[vector<16xi32>], vector<16xf32>, vector<16xi1>
    tpu.vector_store_idx %arg9[%get3A_34], %get3A_17 masked %lt3A_40 : memref<1000xf32, #tpu.memory_space<vmem>>[vector<16xi32>], vector<16xf32>, vector<16xi1>
    %get3A_41 = arith.constant 48 : index
    %get3A_42 = tpu.vector_load %arg7[%get3A_41] {strides = array<i32>} : memref<64xi32, #tpu.memory_space<vmem>>, vector<16xi32>,
    %add3A_43 = arith.constant 48 : i32
    %add3A_44 = vector.broadcast %add3A_43 : i32 to vector<16xi32>
    %add3A_45 = arith.addi %iota3A, %add3A_44 : vector<16xi32>
    %lt3A_46 = arith.constant 50 : i32
    %lt3A_47 = vector.broadcast %lt3A_46 : i32 to vector<16xi32>
    %lt3A_48 = arith.cmpi slt, %add3A_45, %lt3A_47 : vector<16xi32>
    tpu.vector_store_idx %arg8[%get3A_42], %get3A_15 masked %lt3A_48 : memref<1000xf32, #tpu.memory_space<vmem>>[vector<16xi32>], vector<16xf32>, vector<16xi1>
    tpu.vector_store_idx %arg9[%get3A_42], %get3A_17 masked %lt3A_48 : memref<1000xf32, #tpu.memory_space<vmem>>[vector<16xi32>], vector<16xf32>, vector<16xi1>
    %scan3A = arith.constant 0 : i32
    %scan3A_49 = arith.constant 2 : i32
    %scan3A_50 = arith.addi %scan3A, %scan3A_49 : i32
    %scan3A_51 = arith.constant 1 : i32
    scf.for %scan3A_72 = %scan3A to %scan3A_50 step %scan3A_51  : i32 {
      %mul3A_73 = arith.constant 2 : i32
      %mul3A_74 = arith.muli %scan3A_72, %mul3A_73 : i32
      %add3A_75 = arith.constant 0 : i32
      %add3A_76 = arith.addi %add3A_75, %mul3A_74 : i32
      %add3A_77 = arith.constant 0 : i32
      %add3A_78 = arith.addi %add3A_76, %add3A_77 : i32
      %mul3A_79 = arith.constant 200 : i32
      %mul3A_80 = arith.muli %add3A_78, %mul3A_79 : i32
      %multiple_of3A_81 = tpu.assume_multiple %mul3A_80, 8 : i32
      %dma_wait3A_82 = tpu.memref_slice %arg2[%multiple_of3A_81, %mul3A_2] : memref<1000x4096xf32, #tpu.memory_space<hbm>> -> memref<200x128xf32, #tpu.memory_space<hbm>>
      %dma_wait3A_83 = tpu.memref_slice %arg2[%multiple_of3A_81, %mul3A_2] : memref<1000x4096xf32, #tpu.memory_space<hbm>> -> memref<200x128xf32, #tpu.memory_space<hbm>>
      tpu.wait_dma2 semaphore(%arg14 : memref<!tpu.dma_semaphore, #tpu.memory_space<semaphore_mem>>) src(%dma_wait3A_83 : memref<200x128xf32, #tpu.memory_space<hbm>>) dst(%arg10 : memref<200x128xf32, #tpu.memory_space<vmem>>)
      %ge3A = arith.constant 2 : i32
      %ge3A_84 = arith.cmpi sge, %add3A_78, %ge3A : i32
      %convert_element_type3A = arith.extui %ge3A_84 : i1 to i32
      %cond3A = arith.constant 0 : i32
      %cond3A_85 = arith.cmpi ne, %convert_element_type3A, %cond3A : i32
      scf.if %cond3A_85 {
        %sub3A = arith.constant 2 : i32
        %sub3A_122 = arith.subi %add3A_78, %sub3A : i32
        %mul3A_123 = arith.constant 200 : i32
        %mul3A_124 = arith.muli %sub3A_122, %mul3A_123 : i32
        %multiple_of3A_125 = tpu.assume_multiple %mul3A_124, 8 : i32
        %dma_wait3A_126 = tpu.memref_slice %arg5[%multiple_of3A_125, %mul3A_2] : memref<1000x4096xf32, #tpu.memory_space<hbm>> -> memref<200x128xf32, #tpu.memory_space<hbm>>
        %dma_wait3A_127 = tpu.memref_slice %arg5[%multiple_of3A_125, %mul3A_2] : memref<1000x4096xf32, #tpu.memory_space<hbm>> -> memref<200x128xf32, #tpu.memory_space<hbm>>
        tpu.wait_dma2 semaphore(%arg16 : memref<!tpu.dma_semaphore, #tpu.memory_space<semaphore_mem>>) src(%arg12 : memref<200x128xf32, #tpu.memory_space<vmem>>) dst(%dma_wait3A_127 : memref<200x128xf32, #tpu.memory_space<hbm>>)
      } else {
      }
      %parallel_loop3A_86 = arith.constant 0 : i32
      %parallel_loop3A_87 = arith.constant 200 : i32
      %parallel_loop3A_88 = arith.constant 1 : i32
      scf.for %parallel_loop3A_122 = %parallel_loop3A_86 to %parallel_loop3A_87 step %parallel_loop3A_88  : i32 {
        %parallel_loop3A_123 = arith.addi %multiple_of3A_81, %parallel_loop3A_122 : i32
        %parallel_loop3A_124 = vector.broadcast %parallel_loop3A_123 : i32 to vector<16xi32>
        %parallel_loop3A_125 = arith.addi %broadcast_in_dim3A_14, %parallel_loop3A_124 : vector<16xi32>
        %parallel_loop3A_126 = tpu.vector_load_idx %arg8[%parallel_loop3A_125] : memref<1000xf32, #tpu.memory_space<vmem>>[vector<16xi32>], vector<16xf32>,
        %parallel_loop3A_127 = tpu.vector_load_idx %arg9[%parallel_loop3A_125] : memref<1000xf32, #tpu.memory_space<vmem>>[vector<16xi32>], vector<16xf32>,
        %parallel_loop3A_128 = arith.index_cast %parallel_loop3A_122 : i32 to index
        %parallel_loop3A_129 = arith.constant 0 : index
        %parallel_loop3A_130 = tpu.vector_load %arg10[%parallel_loop3A_128, %parallel_loop3A_129] {strides = array<i32>} : memref<200x128xf32, #tpu.memory_space<vmem>>, vector<16xf32>,
        %parallel_loop3A_131 = arith.mulf %parallel_loop3A_126, %parallel_loop3A_130 : vector<16xf32>
        %parallel_loop3A_132 = arith.addf %parallel_loop3A_131, %parallel_loop3A_127 : vector<16xf32>
        %parallel_loop3A_133 = arith.index_cast %parallel_loop3A_122 : i32 to index
        %parallel_loop3A_134 = arith.constant 0 : index
        %parallel_loop3A_135 = tpu.vector_load %arg12[%parallel_loop3A_133, %parallel_loop3A_134] {strides = array<i32>} : memref<200x128xf32, #tpu.memory_space<vmem>>, vector<16xf32>,
        tpu.vector_store %arg12[%parallel_loop3A_133, %parallel_loop3A_134], %parallel_loop3A_132 {strides = array<i32>} : memref<200x128xf32, #tpu.memory_space<vmem>>, vector<16xf32>,
        %parallel_loop3A_136 = arith.index_cast %parallel_loop3A_122 : i32 to index
        %parallel_loop3A_137 = arith.constant 16 : index
        %parallel_loop3A_138 = tpu.vector_load %arg10[%parallel_loop3A_136, %parallel_loop3A_137] {strides = array<i32>} : memref<200x128xf32, #tpu.memory_space<vmem>>, vector<16xf32>,
        %parallel_loop3A_139 = arith.mulf %parallel_loop3A_126, %parallel_loop3A_138 : vector<16xf32>
        %parallel_loop3A_140 = arith.addf %parallel_loop3A_139, %parallel_loop3A_127 : vector<16xf32>
        %parallel_loop3A_141 = arith.index_cast %parallel_loop3A_122 : i32 to index
        %parallel_loop3A_142 = arith.constant 16 : index
        %parallel_loop3A_143 = tpu.vector_load %arg12[%parallel_loop3A_141, %parallel_loop3A_142] {strides = array<i32>} : memref<200x128xf32, #tpu.memory_space<vmem>>, vector<16xf32>,
        tpu.vector_store %arg12[%parallel_loop3A_141, %parallel_loop3A_142], %parallel_loop3A_140 {strides = array<i32>} : memref<200x128xf32, #tpu.memory_space<vmem>>, vector<16xf32>,
        %parallel_loop3A_144 = arith.index_cast %parallel_loop3A_122 : i32 to index
        %parallel_loop3A_145 = arith.constant 32 : index
        %parallel_loop3A_146 = tpu.vector_load %arg10[%parallel_loop3A_144, %parallel_loop3A_145] {strides = array<i32>} : memref<200x128xf32, #tpu.memory_space<vmem>>, vector<16xf32>,
        %parallel_loop3A_147 = arith.mulf %parallel_loop3A_126, %parallel_loop3A_146 : vector<16xf32>
        %parallel_loop3A_148 = arith.addf %parallel_loop3A_147, %parallel_loop3A_127 : vector<16xf32>
        %parallel_loop3A_149 = arith.index_cast %parallel_loop3A_122 : i32 to index
        %parallel_loop3A_150 = arith.constant 32 : index
        %parallel_loop3A_151 = tpu.vector_load %arg12[%parallel_loop3A_149, %parallel_loop3A_150] {strides = array<i32>} : memref<200x128xf32, #tpu.memory_space<vmem>>, vector<16xf32>,
        tpu.vector_store %arg12[%parallel_loop3A_149, %parallel_loop3A_150], %parallel_loop3A_148 {strides = array<i32>} : memref<200x128xf32, #tpu.memory_space<vmem>>, vector<16xf32>,
        %parallel_loop3A_152 = arith.index_cast %parallel_loop3A_122 : i32 to index
        %parallel_loop3A_153 = arith.constant 48 : index
        %parallel_loop3A_154 = tpu.vector_load %arg10[%parallel_loop3A_152, %parallel_loop3A_153] {strides = array<i32>} : memref<200x128xf32, #tpu.memory_space<vmem>>, vector<16xf32>,
        %parallel_loop3A_155 = arith.mulf %parallel_loop3A_126, %parallel_loop3A_154 : vector<16xf32>
        %parallel_loop3A_156 = arith.addf %parallel_loop3A_155, %parallel_loop3A_127 : vector<16xf32>
        %parallel_loop3A_157 = arith.index_cast %parallel_loop3A_122 : i32 to index
        %parallel_loop3A_158 = arith.constant 48 : index
        %parallel_loop3A_159 = tpu.vector_load %arg12[%parallel_loop3A_157, %parallel_loop3A_158] {strides = array<i32>} : memref<200x128xf32, #tpu.memory_space<vmem>>, vector<16xf32>,
        tpu.vector_store %arg12[%parallel_loop3A_157, %parallel_loop3A_158], %parallel_loop3A_156 {strides = array<i32>} : memref<200x128xf32, #tpu.memory_space<vmem>>, vector<16xf32>,
        %parallel_loop3A_160 = arith.index_cast %parallel_loop3A_122 : i32 to index
        %parallel_loop3A_161 = arith.constant 64 : index
        %parallel_loop3A_162 = tpu.vector_load %arg10[%parallel_loop3A_160, %parallel_loop3A_161] {strides = array<i32>} : memref<200x128xf32, #tpu.memory_space<vmem>>, vector<16xf32>,
        %parallel_loop3A_163 = arith.mulf %parallel_loop3A_126, %parallel_loop3A_162 : vector<16xf32>
        %parallel_loop3A_164 = arith.addf %parallel_loop3A_163, %parallel_loop3A_127 : vector<16xf32>
        %parallel_loop3A_165 = arith.index_cast %parallel_loop3A_122 : i32 to index
        %parallel_loop3A_166 = arith.constant 64 : index
        %parallel_loop3A_167 = tpu.vector_load %arg12[%parallel_loop3A_165, %parallel_loop3A_166] {strides = array<i32>} : memref<200x128xf32, #tpu.memory_space<vmem>>, vector<16xf32>,
        tpu.vector_store %arg12[%parallel_loop3A_165, %parallel_loop3A_166], %parallel_loop3A_164 {strides = array<i32>} : memref<200x128xf32, #tpu.memory_space<vmem>>, vector<16xf32>,
        %parallel_loop3A_168 = arith.index_cast %parallel_loop3A_122 : i32 to index
        %parallel_loop3A_169 = arith.constant 80 : index
        %parallel_loop3A_170 = tpu.vector_load %arg10[%parallel_loop3A_168, %parallel_loop3A_169] {strides = array<i32>} : memref<200x128xf32, #tpu.memory_space<vmem>>, vector<16xf32>,
        %parallel_loop3A_171 = arith.mulf %parallel_loop3A_126, %parallel_loop3A_170 : vector<16xf32>
        %parallel_loop3A_172 = arith.addf %parallel_loop3A_171, %parallel_loop3A_127 : vector<16xf32>
        %parallel_loop3A_173 = arith.index_cast %parallel_loop3A_122 : i32 to index
        %parallel_loop3A_174 = arith.constant 80 : index
        %parallel_loop3A_175 = tpu.vector_load %arg12[%parallel_loop3A_173, %parallel_loop3A_174] {strides = array<i32>} : memref<200x128xf32, #tpu.memory_space<vmem>>, vector<16xf32>,
        tpu.vector_store %arg12[%parallel_loop3A_173, %parallel_loop3A_174], %parallel_loop3A_172 {strides = array<i32>} : memref<200x128xf32, #tpu.memory_space<vmem>>, vector<16xf32>,
        %parallel_loop3A_176 = arith.index_cast %parallel_loop3A_122 : i32 to index
        %parallel_loop3A_177 = arith.constant 96 : index
        %parallel_loop3A_178 = tpu.vector_load %arg10[%parallel_loop3A_176, %parallel_loop3A_177] {strides = array<i32>} : memref<200x128xf32, #tpu.memory_space<vmem>>, vector<16xf32>,
        %parallel_loop3A_179 = arith.mulf %parallel_loop3A_126, %parallel_loop3A_178 : vector<16xf32>
        %parallel_loop3A_180 = arith.addf %parallel_loop3A_179, %parallel_loop3A_127 : vector<16xf32>
        %parallel_loop3A_181 = arith.index_cast %parallel_loop3A_122 : i32 to index
        %parallel_loop3A_182 = arith.constant 96 : index
        %parallel_loop3A_183 = tpu.vector_load %arg12[%parallel_loop3A_181, %parallel_loop3A_182] {strides = array<i32>} : memref<200x128xf32, #tpu.memory_space<vmem>>, vector<16xf32>,
        tpu.vector_store %arg12[%parallel_loop3A_181, %parallel_loop3A_182], %parallel_loop3A_180 {strides = array<i32>} : memref<200x128xf32, #tpu.memory_space<vmem>>, vector<16xf32>,
        %parallel_loop3A_184 = arith.index_cast %parallel_loop3A_122 : i32 to index
        %parallel_loop3A_185 = arith.constant 112 : index
        %parallel_loop3A_186 = tpu.vector_load %arg10[%parallel_loop3A_184, %parallel_loop3A_185] {strides = array<i32>} : memref<200x128xf32, #tpu.memory_space<vmem>>, vector<16xf32>,
        %parallel_loop3A_187 = arith.mulf %parallel_loop3A_126, %parallel_loop3A_186 : vector<16xf32>
        %parallel_loop3A_188 = arith.addf %parallel_loop3A_187, %parallel_loop3A_127 : vector<16xf32>
        %parallel_loop3A_189 = arith.index_cast %parallel_loop3A_122 : i32 to index
        %parallel_loop3A_190 = arith.constant 112 : index
        %parallel_loop3A_191 = tpu.vector_load %arg12[%parallel_loop3A_189, %parallel_loop3A_190] {strides = array<i32>} : memref<200x128xf32, #tpu.memory_space<vmem>>, vector<16xf32>,
        tpu.vector_store %arg12[%parallel_loop3A_189, %parallel_loop3A_190], %parallel_loop3A_188 {strides = array<i32>} : memref<200x128xf32, #tpu.memory_space<vmem>>, vector<16xf32>,
      } {sc.loop_unroll_factor = 1 : i64, sc.parallel_access}
      %dma_start3A_89 = tpu.memref_slice %arg5[%multiple_of3A_81, %mul3A_2] : memref<1000x4096xf32, #tpu.memory_space<hbm>> -> memref<200x128xf32, #tpu.memory_space<hbm>>
      %dma_start3A_90 = tpu.memref_slice %arg5[%multiple_of3A_81, %mul3A_2] : memref<1000x4096xf32, #tpu.memory_space<hbm>> -> memref<200x128xf32, #tpu.memory_space<hbm>>
      tpu.enqueue_dma source(%arg12 : memref<200x128xf32, #tpu.memory_space<vmem>>) target(%dma_start3A_90 : memref<200x128xf32, #tpu.memory_space<hbm>>) target_semaphore(%arg16 : memref<!tpu.dma_semaphore, #tpu.memory_space<semaphore_mem>>)
      %add3A_91 = arith.constant 2 : i32
      %add3A_92 = arith.addi %add3A_78, %add3A_91 : i32
      %lt3A_93 = arith.constant 5 : i32
      %lt3A_94 = arith.cmpi slt, %add3A_92, %lt3A_93 : i32
      %convert_element_type3A_95 = arith.extui %lt3A_94 : i1 to i32
      %cond3A_96 = arith.constant 0 : i32
      %cond3A_97 = arith.cmpi ne, %convert_element_type3A_95, %cond3A_96 : i32
      scf.if %cond3A_97 {
        %add3A_122 = arith.constant 2 : i32
        %add3A_123 = arith.addi %add3A_78, %add3A_122 : i32
        %mul3A_124 = arith.constant 200 : i32
        %mul3A_125 = arith.muli %add3A_123, %mul3A_124 : i32
        %multiple_of3A_126 = tpu.assume_multiple %mul3A_125, 8 : i32
        %dma_start3A_127 = tpu.memref_slice %arg2[%multiple_of3A_126, %mul3A_2] : memref<1000x4096xf32, #tpu.memory_space<hbm>> -> memref<200x128xf32, #tpu.memory_space<hbm>>
        %dma_start3A_128 = tpu.memref_slice %arg2[%multiple_of3A_126, %mul3A_2] : memref<1000x4096xf32, #tpu.memory_space<hbm>> -> memref<200x128xf32, #tpu.memory_space<hbm>>
        tpu.enqueue_dma source(%dma_start3A_128 : memref<200x128xf32, #tpu.memory_space<hbm>>) target(%arg10 : memref<200x128xf32, #tpu.memory_space<vmem>>) target_semaphore(%arg14 : memref<!tpu.dma_semaphore, #tpu.memory_space<semaphore_mem>>)
      } else {
      }
      %add3A_98 = arith.constant 1 : i32
      %add3A_99 = arith.addi %add3A_76, %add3A_98 : i32
      %mul3A_100 = arith.constant 200 : i32
      %mul3A_101 = arith.muli %add3A_99, %mul3A_100 : i32
      %multiple_of3A_102 = tpu.assume_multiple %mul3A_101, 8 : i32
      %dma_wait3A_103 = tpu.memref_slice %arg2[%multiple_of3A_102, %mul3A_2] : memref<1000x4096xf32, #tpu.memory_space<hbm>> -> memref<200x128xf32, #tpu.memory_space<hbm>>
      %dma_wait3A_104 = tpu.memref_slice %arg2[%multiple_of3A_102, %mul3A_2] : memref<1000x4096xf32, #tpu.memory_space<hbm>> -> memref<200x128xf32, #tpu.memory_space<hbm>>
      tpu.wait_dma2 semaphore(%arg15 : memref<!tpu.dma_semaphore, #tpu.memory_space<semaphore_mem>>) src(%dma_wait3A_104 : memref<200x128xf32, #tpu.memory_space<hbm>>) dst(%arg11 : memref<200x128xf32, #tpu.memory_space<vmem>>)
      %ge3A_105 = arith.constant 2 : i32
      %ge3A_106 = arith.cmpi sge, %add3A_99, %ge3A_105 : i32
      %convert_element_type3A_107 = arith.extui %ge3A_106 : i1 to i32
      %cond3A_108 = arith.constant 0 : i32
      %cond3A_109 = arith.cmpi ne, %convert_element_type3A_107, %cond3A_108 : i32
      scf.if %cond3A_109 {
        %sub3A = arith.constant 2 : i32
        %sub3A_122 = arith.subi %add3A_99, %sub3A : i32
        %mul3A_123 = arith.constant 200 : i32
        %mul3A_124 = arith.muli %sub3A_122, %mul3A_123 : i32
        %multiple_of3A_125 = tpu.assume_multiple %mul3A_124, 8 : i32
        %dma_wait3A_126 = tpu.memref_slice %arg5[%multiple_of3A_125, %mul3A_2] : memref<1000x4096xf32, #tpu.memory_space<hbm>> -> memref<200x128xf32, #tpu.memory_space<hbm>>
        %dma_wait3A_127 = tpu.memref_slice %arg5[%multiple_of3A_125, %mul3A_2] : memref<1000x4096xf32, #tpu.memory_space<hbm>> -> memref<200x128xf32, #tpu.memory_space<hbm>>
        tpu.wait_dma2 semaphore(%arg17 : memref<!tpu.dma_semaphore, #tpu.memory_space<semaphore_mem>>) src(%arg13 : memref<200x128xf32, #tpu.memory_space<vmem>>) dst(%dma_wait3A_127 : memref<200x128xf32, #tpu.memory_space<hbm>>)
      } else {
      }
      %parallel_loop3A_110 = arith.constant 0 : i32
      %parallel_loop3A_111 = arith.constant 200 : i32
      %parallel_loop3A_112 = arith.constant 1 : i32
      scf.for %parallel_loop3A_122 = %parallel_loop3A_110 to %parallel_loop3A_111 step %parallel_loop3A_112  : i32 {
        %parallel_loop3A_123 = arith.addi %multiple_of3A_102, %parallel_loop3A_122 : i32
        %parallel_loop3A_124 = vector.broadcast %parallel_loop3A_123 : i32 to vector<16xi32>
        %parallel_loop3A_125 = arith.addi %broadcast_in_dim3A_14, %parallel_loop3A_124 : vector<16xi32>
        %parallel_loop3A_126 = tpu.vector_load_idx %arg8[%parallel_loop3A_125] : memref<1000xf32, #tpu.memory_space<vmem>>[vector<16xi32>], vector<16xf32>,
        %parallel_loop3A_127 = tpu.vector_load_idx %arg9[%parallel_loop3A_125] : memref<1000xf32, #tpu.memory_space<vmem>>[vector<16xi32>], vector<16xf32>,
        %parallel_loop3A_128 = arith.index_cast %parallel_loop3A_122 : i32 to index
        %parallel_loop3A_129 = arith.constant 0 : index
        %parallel_loop3A_130 = tpu.vector_load %arg11[%parallel_loop3A_128, %parallel_loop3A_129] {strides = array<i32>} : memref<200x128xf32, #tpu.memory_space<vmem>>, vector<16xf32>,
        %parallel_loop3A_131 = arith.mulf %parallel_loop3A_126, %parallel_loop3A_130 : vector<16xf32>
        %parallel_loop3A_132 = arith.addf %parallel_loop3A_131, %parallel_loop3A_127 : vector<16xf32>
        %parallel_loop3A_133 = arith.index_cast %parallel_loop3A_122 : i32 to index
        %parallel_loop3A_134 = arith.constant 0 : index
        %parallel_loop3A_135 = tpu.vector_load %arg13[%parallel_loop3A_133, %parallel_loop3A_134] {strides = array<i32>} : memref<200x128xf32, #tpu.memory_space<vmem>>, vector<16xf32>,
        tpu.vector_store %arg13[%parallel_loop3A_133, %parallel_loop3A_134], %parallel_loop3A_132 {strides = array<i32>} : memref<200x128xf32, #tpu.memory_space<vmem>>, vector<16xf32>,
        %parallel_loop3A_136 = arith.index_cast %parallel_loop3A_122 : i32 to index
        %parallel_loop3A_137 = arith.constant 16 : index
        %parallel_loop3A_138 = tpu.vector_load %arg11[%parallel_loop3A_136, %parallel_loop3A_137] {strides = array<i32>} : memref<200x128xf32, #tpu.memory_space<vmem>>, vector<16xf32>,
        %parallel_loop3A_139 = arith.mulf %parallel_loop3A_126, %parallel_loop3A_138 : vector<16xf32>
        %parallel_loop3A_140 = arith.addf %parallel_loop3A_139, %parallel_loop3A_127 : vector<16xf32>
        %parallel_loop3A_141 = arith.index_cast %parallel_loop3A_122 : i32 to index
        %parallel_loop3A_142 = arith.constant 16 : index
        %parallel_loop3A_143 = tpu.vector_load %arg13[%parallel_loop3A_141, %parallel_loop3A_142] {strides = array<i32>} : memref<200x128xf32, #tpu.memory_space<vmem>>, vector<16xf32>,
        tpu.vector_store %arg13[%parallel_loop3A_141, %parallel_loop3A_142], %parallel_loop3A_140 {strides = array<i32>} : memref<200x128xf32, #tpu.memory_space<vmem>>, vector<16xf32>,
        %parallel_loop3A_144 = arith.index_cast %parallel_loop3A_122 : i32 to index
        %parallel_loop3A_145 = arith.constant 32 : index
        %parallel_loop3A_146 = tpu.vector_load %arg11[%parallel_loop3A_144, %parallel_loop3A_145] {strides = array<i32>} : memref<200x128xf32, #tpu.memory_space<vmem>>, vector<16xf32>,
        %parallel_loop3A_147 = arith.mulf %parallel_loop3A_126, %parallel_loop3A_146 : vector<16xf32>
        %parallel_loop3A_148 = arith.addf %parallel_loop3A_147, %parallel_loop3A_127 : vector<16xf32>
        %parallel_loop3A_149 = arith.index_cast %parallel_loop3A_122 : i32 to index
        %parallel_loop3A_150 = arith.constant 32 : index
        %parallel_loop3A_151 = tpu.vector_load %arg13[%parallel_loop3A_149, %parallel_loop3A_150] {strides = array<i32>} : memref<200x128xf32, #tpu.memory_space<vmem>>, vector<16xf32>,
        tpu.vector_store %arg13[%parallel_loop3A_149, %parallel_loop3A_150], %parallel_loop3A_148 {strides = array<i32>} : memref<200x128xf32, #tpu.memory_space<vmem>>, vector<16xf32>,
        %parallel_loop3A_152 = arith.index_cast %parallel_loop3A_122 : i32 to index
        %parallel_loop3A_153 = arith.constant 48 : index
        %parallel_loop3A_154 = tpu.vector_load %arg11[%parallel_loop3A_152, %parallel_loop3A_153] {strides = array<i32>} : memref<200x128xf32, #tpu.memory_space<vmem>>, vector<16xf32>,
        %parallel_loop3A_155 = arith.mulf %parallel_loop3A_126, %parallel_loop3A_154 : vector<16xf32>
        %parallel_loop3A_156 = arith.addf %parallel_loop3A_155, %parallel_loop3A_127 : vector<16xf32>
        %parallel_loop3A_157 = arith.index_cast %parallel_loop3A_122 : i32 to index
        %parallel_loop3A_158 = arith.constant 48 : index
        %parallel_loop3A_159 = tpu.vector_load %arg13[%parallel_loop3A_157, %parallel_loop3A_158] {strides = array<i32>} : memref<200x128xf32, #tpu.memory_space<vmem>>, vector<16xf32>,
        tpu.vector_store %arg13[%parallel_loop3A_157, %parallel_loop3A_158], %parallel_loop3A_156 {strides = array<i32>} : memref<200x128xf32, #tpu.memory_space<vmem>>, vector<16xf32>,
        %parallel_loop3A_160 = arith.index_cast %parallel_loop3A_122 : i32 to index
        %parallel_loop3A_161 = arith.constant 64 : index
        %parallel_loop3A_162 = tpu.vector_load %arg11[%parallel_loop3A_160, %parallel_loop3A_161] {strides = array<i32>} : memref<200x128xf32, #tpu.memory_space<vmem>>, vector<16xf32>,
        %parallel_loop3A_163 = arith.mulf %parallel_loop3A_126, %parallel_loop3A_162 : vector<16xf32>
        %parallel_loop3A_164 = arith.addf %parallel_loop3A_163, %parallel_loop3A_127 : vector<16xf32>
        %parallel_loop3A_165 = arith.index_cast %parallel_loop3A_122 : i32 to index
        %parallel_loop3A_166 = arith.constant 64 : index
        %parallel_loop3A_167 = tpu.vector_load %arg13[%parallel_loop3A_165, %parallel_loop3A_166] {strides = array<i32>} : memref<200x128xf32, #tpu.memory_space<vmem>>, vector<16xf32>,
        tpu.vector_store %arg13[%parallel_loop3A_165, %parallel_loop3A_166], %parallel_loop3A_164 {strides = array<i32>} : memref<200x128xf32, #tpu.memory_space<vmem>>, vector<16xf32>,
        %parallel_loop3A_168 = arith.index_cast %parallel_loop3A_122 : i32 to index
        %parallel_loop3A_169 = arith.constant 80 : index
        %parallel_loop3A_170 = tpu.vector_load %arg11[%parallel_loop3A_168, %parallel_loop3A_169] {strides = array<i32>} : memref<200x128xf32, #tpu.memory_space<vmem>>, vector<16xf32>,
        %parallel_loop3A_171 = arith.mulf %parallel_loop3A_126, %parallel_loop3A_170 : vector<16xf32>
        %parallel_loop3A_172 = arith.addf %parallel_loop3A_171, %parallel_loop3A_127 : vector<16xf32>
        %parallel_loop3A_173 = arith.index_cast %parallel_loop3A_122 : i32 to index
        %parallel_loop3A_174 = arith.constant 80 : index
        %parallel_loop3A_175 = tpu.vector_load %arg13[%parallel_loop3A_173, %parallel_loop3A_174] {strides = array<i32>} : memref<200x128xf32, #tpu.memory_space<vmem>>, vector<16xf32>,
        tpu.vector_store %arg13[%parallel_loop3A_173, %parallel_loop3A_174], %parallel_loop3A_172 {strides = array<i32>} : memref<200x128xf32, #tpu.memory_space<vmem>>, vector<16xf32>,
        %parallel_loop3A_176 = arith.index_cast %parallel_loop3A_122 : i32 to index
        %parallel_loop3A_177 = arith.constant 96 : index
        %parallel_loop3A_178 = tpu.vector_load %arg11[%parallel_loop3A_176, %parallel_loop3A_177] {strides = array<i32>} : memref<200x128xf32, #tpu.memory_space<vmem>>, vector<16xf32>,
        %parallel_loop3A_179 = arith.mulf %parallel_loop3A_126, %parallel_loop3A_178 : vector<16xf32>
        %parallel_loop3A_180 = arith.addf %parallel_loop3A_179, %parallel_loop3A_127 : vector<16xf32>
        %parallel_loop3A_181 = arith.index_cast %parallel_loop3A_122 : i32 to index
        %parallel_loop3A_182 = arith.constant 96 : index
        %parallel_loop3A_183 = tpu.vector_load %arg13[%parallel_loop3A_181, %parallel_loop3A_182] {strides = array<i32>} : memref<200x128xf32, #tpu.memory_space<vmem>>, vector<16xf32>,
        tpu.vector_store %arg13[%parallel_loop3A_181, %parallel_loop3A_182], %parallel_loop3A_180 {strides = array<i32>} : memref<200x128xf32, #tpu.memory_space<vmem>>, vector<16xf32>,
        %parallel_loop3A_184 = arith.index_cast %parallel_loop3A_122 : i32 to index
        %parallel_loop3A_185 = arith.constant 112 : index
        %parallel_loop3A_186 = tpu.vector_load %arg11[%parallel_loop3A_184, %parallel_loop3A_185] {strides = array<i32>} : memref<200x128xf32, #tpu.memory_space<vmem>>, vector<16xf32>,
        %parallel_loop3A_187 = arith.mulf %parallel_loop3A_126, %parallel_loop3A_186 : vector<16xf32>
        %parallel_loop3A_188 = arith.addf %parallel_loop3A_187, %parallel_loop3A_127 : vector<16xf32>
        %parallel_loop3A_189 = arith.index_cast %parallel_loop3A_122 : i32 to index
        %parallel_loop3A_190 = arith.constant 112 : index
        %parallel_loop3A_191 = tpu.vector_load %arg13[%parallel_loop3A_189, %parallel_loop3A_190] {strides = array<i32>} : memref<200x128xf32, #tpu.memory_space<vmem>>, vector<16xf32>,
        tpu.vector_store %arg13[%parallel_loop3A_189, %parallel_loop3A_190], %parallel_loop3A_188 {strides = array<i32>} : memref<200x128xf32, #tpu.memory_space<vmem>>, vector<16xf32>,
      } {sc.loop_unroll_factor = 1 : i64, sc.parallel_access}
      %dma_start3A_113 = tpu.memref_slice %arg5[%multiple_of3A_102, %mul3A_2] : memref<1000x4096xf32, #tpu.memory_space<hbm>> -> memref<200x128xf32, #tpu.memory_space<hbm>>
      %dma_start3A_114 = tpu.memref_slice %arg5[%multiple_of3A_102, %mul3A_2] : memref<1000x4096xf32, #tpu.memory_space<hbm>> -> memref<200x128xf32, #tpu.memory_space<hbm>>
      tpu.enqueue_dma source(%arg13 : memref<200x128xf32, #tpu.memory_space<vmem>>) target(%dma_start3A_114 : memref<200x128xf32, #tpu.memory_space<hbm>>) target_semaphore(%arg17 : memref<!tpu.dma_semaphore, #tpu.memory_space<semaphore_mem>>)
      %add3A_115 = arith.constant 2 : i32
      %add3A_116 = arith.addi %add3A_99, %add3A_115 : i32
      %lt3A_117 = arith.constant 5 : i32
      %lt3A_118 = arith.cmpi slt, %add3A_116, %lt3A_117 : i32
      %convert_element_type3A_119 = arith.extui %lt3A_118 : i1 to i32
      %cond3A_120 = arith.constant 0 : i32
      %cond3A_121 = arith.cmpi ne, %convert_element_type3A_119, %cond3A_120 : i32
      scf.if %cond3A_121 {
        %add3A_122 = arith.constant 2 : i32
        %add3A_123 = arith.addi %add3A_99, %add3A_122 : i32
        %mul3A_124 = arith.constant 200 : i32
        %mul3A_125 = arith.muli %add3A_123, %mul3A_124 : i32
        %multiple_of3A_126 = tpu.assume_multiple %mul3A_125, 8 : i32
        %dma_start3A_127 = tpu.memref_slice %arg2[%multiple_of3A_126, %mul3A_2] : memref<1000x4096xf32, #tpu.memory_space<hbm>> -> memref<200x128xf32, #tpu.memory_space<hbm>>
        %dma_start3A_128 = tpu.memref_slice %arg2[%multiple_of3A_126, %mul3A_2] : memref<1000x4096xf32, #tpu.memory_space<hbm>> -> memref<200x128xf32, #tpu.memory_space<hbm>>
        tpu.enqueue_dma source(%dma_start3A_128 : memref<200x128xf32, #tpu.memory_space<hbm>>) target(%arg11 : memref<200x128xf32, #tpu.memory_space<vmem>>) target_semaphore(%arg15 : memref<!tpu.dma_semaphore, #tpu.memory_space<semaphore_mem>>)
      } else {
      }
    }
    %scan3A_52 = arith.constant 2 : i32
    %multiple_of3A = arith.constant 800 : i32
    %multiple_of3A_53 = tpu.assume_multiple %multiple_of3A, 8 : i32
    %dma_wait3A = tpu.memref_slice %arg2[%multiple_of3A_53, %mul3A_2] : memref<1000x4096xf32, #tpu.memory_space<hbm>> -> memref<200x128xf32, #tpu.memory_space<hbm>>
    %dma_wait3A_54 = tpu.memref_slice %arg2[%multiple_of3A_53, %mul3A_2] : memref<1000x4096xf32, #tpu.memory_space<hbm>> -> memref<200x128xf32, #tpu.memory_space<hbm>>
    tpu.wait_dma2 semaphore(%arg14 : memref<!tpu.dma_semaphore, #tpu.memory_space<semaphore_mem>>) src(%dma_wait3A_54 : memref<200x128xf32, #tpu.memory_space<hbm>>) dst(%arg10 : memref<200x128xf32, #tpu.memory_space<vmem>>)
    %multiple_of3A_55 = arith.constant 400 : i32
    %multiple_of3A_56 = tpu.assume_multiple %multiple_of3A_55, 8 : i32
    %dma_wait3A_57 = tpu.memref_slice %arg5[%multiple_of3A_56, %mul3A_2] : memref<1000x4096xf32, #tpu.memory_space<hbm>> -> memref<200x128xf32, #tpu.memory_space<hbm>>
    %dma_wait3A_58 = tpu.memref_slice %arg5[%multiple_of3A_56, %mul3A_2] : memref<1000x4096xf32, #tpu.memory_space<hbm>> -> memref<200x128xf32, #tpu.memory_space<hbm>>
    tpu.wait_dma2 semaphore(%arg16 : memref<!tpu.dma_semaphore, #tpu.memory_space<semaphore_mem>>) src(%arg12 : memref<200x128xf32, #tpu.memory_space<vmem>>) dst(%dma_wait3A_58 : memref<200x128xf32, #tpu.memory_space<hbm>>)
    %parallel_loop3A_59 = arith.constant 0 : i32
    %parallel_loop3A_60 = arith.constant 200 : i32
    %parallel_loop3A_61 = arith.constant 1 : i32
    scf.for %parallel_loop3A_72 = %parallel_loop3A_59 to %parallel_loop3A_60 step %parallel_loop3A_61  : i32 {
      %parallel_loop3A_73 = arith.addi %multiple_of3A_53, %parallel_loop3A_72 : i32
      %parallel_loop3A_74 = vector.broadcast %parallel_loop3A_73 : i32 to vector<16xi32>
      %parallel_loop3A_75 = arith.addi %broadcast_in_dim3A_14, %parallel_loop3A_74 : vector<16xi32>
      %parallel_loop3A_76 = tpu.vector_load_idx %arg8[%parallel_loop3A_75] : memref<1000xf32, #tpu.memory_space<vmem>>[vector<16xi32>], vector<16xf32>,
      %parallel_loop3A_77 = tpu.vector_load_idx %arg9[%parallel_loop3A_75] : memref<1000xf32, #tpu.memory_space<vmem>>[vector<16xi32>], vector<16xf32>,
      %parallel_loop3A_78 = arith.index_cast %parallel_loop3A_72 : i32 to index
      %parallel_loop3A_79 = arith.constant 0 : index
      %parallel_loop3A_80 = tpu.vector_load %arg10[%parallel_loop3A_78, %parallel_loop3A_79] {strides = array<i32>} : memref<200x128xf32, #tpu.memory_space<vmem>>, vector<16xf32>,
      %parallel_loop3A_81 = arith.mulf %parallel_loop3A_76, %parallel_loop3A_80 : vector<16xf32>
      %parallel_loop3A_82 = arith.addf %parallel_loop3A_81, %parallel_loop3A_77 : vector<16xf32>
      %parallel_loop3A_83 = arith.index_cast %parallel_loop3A_72 : i32 to index
      %parallel_loop3A_84 = arith.constant 0 : index
      %parallel_loop3A_85 = tpu.vector_load %arg12[%parallel_loop3A_83, %parallel_loop3A_84] {strides = array<i32>} : memref<200x128xf32, #tpu.memory_space<vmem>>, vector<16xf32>,
      tpu.vector_store %arg12[%parallel_loop3A_83, %parallel_loop3A_84], %parallel_loop3A_82 {strides = array<i32>} : memref<200x128xf32, #tpu.memory_space<vmem>>, vector<16xf32>,
      %parallel_loop3A_86 = arith.index_cast %parallel_loop3A_72 : i32 to index
      %parallel_loop3A_87 = arith.constant 16 : index
      %parallel_loop3A_88 = tpu.vector_load %arg10[%parallel_loop3A_86, %parallel_loop3A_87] {strides = array<i32>} : memref<200x128xf32, #tpu.memory_space<vmem>>, vector<16xf32>,
      %parallel_loop3A_89 = arith.mulf %parallel_loop3A_76, %parallel_loop3A_88 : vector<16xf32>
      %parallel_loop3A_90 = arith.addf %parallel_loop3A_89, %parallel_loop3A_77 : vector<16xf32>
      %parallel_loop3A_91 = arith.index_cast %parallel_loop3A_72 : i32 to index
      %parallel_loop3A_92 = arith.constant 16 : index
      %parallel_loop3A_93 = tpu.vector_load %arg12[%parallel_loop3A_91, %parallel_loop3A_92] {strides = array<i32>} : memref<200x128xf32, #tpu.memory_space<vmem>>, vector<16xf32>,
      tpu.vector_store %arg12[%parallel_loop3A_91, %parallel_loop3A_92], %parallel_loop3A_90 {strides = array<i32>} : memref<200x128xf32, #tpu.memory_space<vmem>>, vector<16xf32>,
      %parallel_loop3A_94 = arith.index_cast %parallel_loop3A_72 : i32 to index
      %parallel_loop3A_95 = arith.constant 32 : index
      %parallel_loop3A_96 = tpu.vector_load %arg10[%parallel_loop3A_94, %parallel_loop3A_95] {strides = array<i32>} : memref<200x128xf32, #tpu.memory_space<vmem>>, vector<16xf32>,
      %parallel_loop3A_97 = arith.mulf %parallel_loop3A_76, %parallel_loop3A_96 : vector<16xf32>
      %parallel_loop3A_98 = arith.addf %parallel_loop3A_97, %parallel_loop3A_77 : vector<16xf32>
      %parallel_loop3A_99 = arith.index_cast %parallel_loop3A_72 : i32 to index
      %parallel_loop3A_100 = arith.constant 32 : index
      %parallel_loop3A_101 = tpu.vector_load %arg12[%parallel_loop3A_99, %parallel_loop3A_100] {strides = array<i32>} : memref<200x128xf32, #tpu.memory_space<vmem>>, vector<16xf32>,
      tpu.vector_store %arg12[%parallel_loop3A_99, %parallel_loop3A_100], %parallel_loop3A_98 {strides = array<i32>} : memref<200x128xf32, #tpu.memory_space<vmem>>, vector<16xf32>,
      %parallel_loop3A_102 = arith.index_cast %parallel_loop3A_72 : i32 to index
      %parallel_loop3A_103 = arith.constant 48 : index
      %parallel_loop3A_104 = tpu.vector_load %arg10[%parallel_loop3A_102, %parallel_loop3A_103] {strides = array<i32>} : memref<200x128xf32, #tpu.memory_space<vmem>>, vector<16xf32>,
      %parallel_loop3A_105 = arith.mulf %parallel_loop3A_76, %parallel_loop3A_104 : vector<16xf32>
      %parallel_loop3A_106 = arith.addf %parallel_loop3A_105, %parallel_loop3A_77 : vector<16xf32>
      %parallel_loop3A_107 = arith.index_cast %parallel_loop3A_72 : i32 to index
      %parallel_loop3A_108 = arith.constant 48 : index
      %parallel_loop3A_109 = tpu.vector_load %arg12[%parallel_loop3A_107, %parallel_loop3A_108] {strides = array<i32>} : memref<200x128xf32, #tpu.memory_space<vmem>>, vector<16xf32>,
      tpu.vector_store %arg12[%parallel_loop3A_107, %parallel_loop3A_108], %parallel_loop3A_106 {strides = array<i32>} : memref<200x128xf32, #tpu.memory_space<vmem>>, vector<16xf32>,
      %parallel_loop3A_110 = arith.index_cast %parallel_loop3A_72 : i32 to index
      %parallel_loop3A_111 = arith.constant 64 : index
      %parallel_loop3A_112 = tpu.vector_load %arg10[%parallel_loop3A_110, %parallel_loop3A_111] {strides = array<i32>} : memref<200x128xf32, #tpu.memory_space<vmem>>, vector<16xf32>,
      %parallel_loop3A_113 = arith.mulf %parallel_loop3A_76, %parallel_loop3A_112 : vector<16xf32>
      %parallel_loop3A_114 = arith.addf %parallel_loop3A_113, %parallel_loop3A_77 : vector<16xf32>
      %parallel_loop3A_115 = arith.index_cast %parallel_loop3A_72 : i32 to index
      %parallel_loop3A_116 = arith.constant 64 : index
      %parallel_loop3A_117 = tpu.vector_load %arg12[%parallel_loop3A_115, %parallel_loop3A_116] {strides = array<i32>} : memref<200x128xf32, #tpu.memory_space<vmem>>, vector<16xf32>,
      tpu.vector_store %arg12[%parallel_loop3A_115, %parallel_loop3A_116], %parallel_loop3A_114 {strides = array<i32>} : memref<200x128xf32, #tpu.memory_space<vmem>>, vector<16xf32>,
      %parallel_loop3A_118 = arith.index_cast %parallel_loop3A_72 : i32 to index
      %parallel_loop3A_119 = arith.constant 80 : index
      %parallel_loop3A_120 = tpu.vector_load %arg10[%parallel_loop3A_118, %parallel_loop3A_119] {strides = array<i32>} : memref<200x128xf32, #tpu.memory_space<vmem>>, vector<16xf32>,
      %parallel_loop3A_121 = arith.mulf %parallel_loop3A_76, %parallel_loop3A_120 : vector<16xf32>
      %parallel_loop3A_122 = arith.addf %parallel_loop3A_121, %parallel_loop3A_77 : vector<16xf32>
      %parallel_loop3A_123 = arith.index_cast %parallel_loop3A_72 : i32 to index
      %parallel_loop3A_124 = arith.constant 80 : index
      %parallel_loop3A_125 = tpu.vector_load %arg12[%parallel_loop3A_123, %parallel_loop3A_124] {strides = array<i32>} : memref<200x128xf32, #tpu.memory_space<vmem>>, vector<16xf32>,
      tpu.vector_store %arg12[%parallel_loop3A_123, %parallel_loop3A_124], %parallel_loop3A_122 {strides = array<i32>} : memref<200x128xf32, #tpu.memory_space<vmem>>, vector<16xf32>,
      %parallel_loop3A_126 = arith.index_cast %parallel_loop3A_72 : i32 to index
      %parallel_loop3A_127 = arith.constant 96 : index
      %parallel_loop3A_128 = tpu.vector_load %arg10[%parallel_loop3A_126, %parallel_loop3A_127] {strides = array<i32>} : memref<200x128xf32, #tpu.memory_space<vmem>>, vector<16xf32>,
      %parallel_loop3A_129 = arith.mulf %parallel_loop3A_76, %parallel_loop3A_128 : vector<16xf32>
      %parallel_loop3A_130 = arith.addf %parallel_loop3A_129, %parallel_loop3A_77 : vector<16xf32>
      %parallel_loop3A_131 = arith.index_cast %parallel_loop3A_72 : i32 to index
      %parallel_loop3A_132 = arith.constant 96 : index
      %parallel_loop3A_133 = tpu.vector_load %arg12[%parallel_loop3A_131, %parallel_loop3A_132] {strides = array<i32>} : memref<200x128xf32, #tpu.memory_space<vmem>>, vector<16xf32>,
      tpu.vector_store %arg12[%parallel_loop3A_131, %parallel_loop3A_132], %parallel_loop3A_130 {strides = array<i32>} : memref<200x128xf32, #tpu.memory_space<vmem>>, vector<16xf32>,
      %parallel_loop3A_134 = arith.index_cast %parallel_loop3A_72 : i32 to index
      %parallel_loop3A_135 = arith.constant 112 : index
      %parallel_loop3A_136 = tpu.vector_load %arg10[%parallel_loop3A_134, %parallel_loop3A_135] {strides = array<i32>} : memref<200x128xf32, #tpu.memory_space<vmem>>, vector<16xf32>,
      %parallel_loop3A_137 = arith.mulf %parallel_loop3A_76, %parallel_loop3A_136 : vector<16xf32>
      %parallel_loop3A_138 = arith.addf %parallel_loop3A_137, %parallel_loop3A_77 : vector<16xf32>
      %parallel_loop3A_139 = arith.index_cast %parallel_loop3A_72 : i32 to index
      %parallel_loop3A_140 = arith.constant 112 : index
      %parallel_loop3A_141 = tpu.vector_load %arg12[%parallel_loop3A_139, %parallel_loop3A_140] {strides = array<i32>} : memref<200x128xf32, #tpu.memory_space<vmem>>, vector<16xf32>,
      tpu.vector_store %arg12[%parallel_loop3A_139, %parallel_loop3A_140], %parallel_loop3A_138 {strides = array<i32>} : memref<200x128xf32, #tpu.memory_space<vmem>>, vector<16xf32>,
    } {sc.loop_unroll_factor = 1 : i64, sc.parallel_access}
    %dma_start3A_62 = tpu.memref_slice %arg5[%multiple_of3A_53, %mul3A_2] : memref<1000x4096xf32, #tpu.memory_space<hbm>> -> memref<200x128xf32, #tpu.memory_space<hbm>>
    %dma_start3A_63 = tpu.memref_slice %arg5[%multiple_of3A_53, %mul3A_2] : memref<1000x4096xf32, #tpu.memory_space<hbm>> -> memref<200x128xf32, #tpu.memory_space<hbm>>
    tpu.enqueue_dma source(%arg12 : memref<200x128xf32, #tpu.memory_space<vmem>>) target(%dma_start3A_63 : memref<200x128xf32, #tpu.memory_space<hbm>>) target_semaphore(%arg16 : memref<!tpu.dma_semaphore, #tpu.memory_space<semaphore_mem>>)
    %dma_wait3A_64 = arith.constant 600 : i32
    %dma_wait3A_65 = tpu.memref_slice %arg5[%dma_wait3A_64, %mul3A_2] : memref<1000x4096xf32, #tpu.memory_space<hbm>> -> memref<200x128xf32, #tpu.memory_space<hbm>>
    %dma_wait3A_66 = arith.constant 600 : i32
    %dma_wait3A_67 = tpu.memref_slice %arg5[%dma_wait3A_66, %mul3A_2] : memref<1000x4096xf32, #tpu.memory_space<hbm>> -> memref<200x128xf32, #tpu.memory_space<hbm>>
    tpu.wait_dma2 semaphore(%arg17 : memref<!tpu.dma_semaphore, #tpu.memory_space<semaphore_mem>>) src(%arg13 : memref<200x128xf32, #tpu.memory_space<vmem>>) dst(%dma_wait3A_67 : memref<200x128xf32, #tpu.memory_space<hbm>>)
    %dma_wait3A_68 = arith.constant 800 : i32
    %dma_wait3A_69 = tpu.memref_slice %arg5[%dma_wait3A_68, %mul3A_2] : memref<1000x4096xf32, #tpu.memory_space<hbm>> -> memref<200x128xf32, #tpu.memory_space<hbm>>
    %dma_wait3A_70 = arith.constant 800 : i32
    %dma_wait3A_71 = tpu.memref_slice %arg5[%dma_wait3A_70, %mul3A_2] : memref<1000x4096xf32, #tpu.memory_space<hbm>> -> memref<200x128xf32, #tpu.memory_space<hbm>>
    tpu.wait_dma2 semaphore(%arg16 : memref<!tpu.dma_semaphore, #tpu.memory_space<semaphore_mem>>) src(%arg12 : memref<200x128xf32, #tpu.memory_space<vmem>>) dst(%dma_wait3A_71 : memref<200x128xf32, #tpu.memory_space<hbm>>)
    return
  }
}

</mosaic_0001>

<sc_bundles>
// kernel: kernel.3.cloned.1.call-start
scs
__scs_entry_jumppad:
0x0: {  	(pc) =	sbr.rel $0x88, $3  }
0x1: {  	(tag) =	ssettag $0x0;
	lr =	simm.s32 $0x1  }
0x2: {  	[smem:$0x3F9D] =	sst lr;
	_ =	strace $0xD0000000  }
0x3: {  	_ = 	snop  }
0x4: {  	_ = 	snop  }
0x5: {  	_ = 	snop  }
0x6: {  	_ = 	snop  }
0x7: {  	_ = 	snop  }
__scs_overlays_trampoline_lowered:
0x8: {  	[smem:$0x3FAC] =	sst s0  }
0x9: {  	[smem:$0x3FAD] =	sst s1  }
0xa: {  	[smem:$0x3FAE] =	sst s2  }
0xb: {  	[smem:$0x3FAF] =	sst s3  }
0xc: {  	[smem:$0x3FB0] =	sst s4  }
0xd: {  	[smem:$0x3FB1] =	sst s5  }
0xe: {  	[smem:$0x3FB2] =	sst s6  }
0xf: {  	[smem:$0x3FB3] =	sst s7  }
0x10: {  	[smem:$0x3FB4] =	sst s8  }
0x11: {  	[smem:$0x3FB5] =	sst s9;
	s0 =	simm.s32 @!p0 $0x0  }
0x12: {  	s1 =	sld [smem:$0x3F9B];
	s0 =	simm.s32 @p0 $0x1  }
0x13: {  	[smem:$0x3FB6] =	sst s0;
	s0 =	simm.s32 @!p1 $0x0  }
0x14: {  	s2 =	sld [smem:$0x3F9A];
	s0 =	simm.s32 @p1 $0x1  }
0x15: {  	[smem:$0x3FB7] =	sst s0;
	s0 =	simm.s32 @!p2 $0x0  }
0x16: {  	s3 =	sld [smem:$0x3FDB];
	s0 =	simm.s32 @p2 $0x1  }
0x17: {  	s4 =	simm.s32 $0x1BF5;
	[smem:$0x3FB9] =	sst s0  }
0x18: {  	s0 =	sld [smem:$0x3F9C];
	_ =	swait.ge [sflag:s4], $0x0  }
0x19: {  	s7 =	sld [smem:$0x3F9D]  }
0x1a: {  	s8 =	sadd.s32 $0xFFFFE003, lr  }
0x1b: {  	s9 =	sadd.s32 $0xFFFFFEF7, lr;
	s5 =	simm.s32 $0xFFFFFFFF;
	p2 =	slt.u32 s8, $0xFFFFF086  }
0x1c: {  	p1 =	slt.u32 s9, $0xF7A;
	s5 =	simm.s32 @!p2 $0x0  }
0x1d: {  	s5 =	simm.s32 @p1 $0x1;
	p0 =	seq.s32 s7, s2  }
0x1e: {  	s7 =	smul.u32 @!p0 $0xF7A, s2;
	p2 =	seq.s32 @!p0 s5, $0x0  }
0x1f: {  	s9 =	smul.u32 $0xF7A, s1;
	s8 =	simm.s32 @!p0 $0x1BF5;
	p2 =	por !p2, p0  }
0x20: {  	[sflag:s8] =	ssyncset.s32 @!p0 $0xFFFFF086;
	s6 =	sadd.s32 @!p0 s3, s7;
	s7 =	simm.s32 @!p0 $0x108  }
0x21: {  	s3 =	sadd.s32 s3, s9;
	s6 =	sadd.s32 @!p0 $0x88, s6;
	s7 =	simm.s32 @p2 $0x1082  }
0x22: {  	[simem:s7], [sflag:s8] =	dma.local @!p0 [hbm:s6], $0xF7A  }
0x23: {  	s9 =	sor.u32 $0xD0000000, s2;
	s6 =	simm.s32 $0x108;
	_ =	swait.ge @!p0 [sflag:s8], $0x0  }
0x24: {  	s3 =	sadd.s32 $0x88, s3;
	s6 =	simm.s32 @!p1 $0x1082;
	[sflag:s4] =	ssyncset.s32 $0xFFFFF086  }
0x25: {  	[simem:s6], [sflag:s4] =	dma.local [hbm:s3], $0xF7A  }
0x26: {  	[smem:$0x3F9D] =	sst s1;
	(tag) =	ssettag s2;
	_ =	strace s9  }
0x27: {  	s1 =	sld [smem:$0x3FAD]  }
0x28: {  	s2 =	sld [smem:$0x3FAE]  }
0x29: {  	s4 =	sld [smem:$0x3FB0]  }
0x2a: {  	p0 =	seq.s32 s5, $0x0;
	s5 =	sld [smem:$0x3FB1]  }
0x2b: {  	s6 =	sld [smem:$0x3FB2]  }
0x2c: {  	s7 =	sld [smem:$0x3FB3]  }
0x2d: {  	s3 =	simm.s32 $0x108;
	s8 =	sld [smem:$0x3FB4]  }
0x2e: {  	s3 =	simm.s32 @!p0 $0x1082;
	s9 =	sld [smem:$0x3FB5]  }
0x2f: {  	lr =	sadd.s32 s0, s3;
	s0 =	sld [smem:$0x3FAC]  }
0x30: {  	s3 =	sld [smem:$0x3FAF]  }
0x31: {  	[smem:$0x3FB8] =	sst s10  }
0x32: {  	s10 =	sld [smem:$0x3FB6];
	_ =	sdelay $0x3  }
0x33: {  	p0 =	seq.s32 s10, $0x1;
	s10 =	sld [smem:$0x3FB8];
	_ =	sdelay $0x3  }
0x34: {  	[smem:$0x3FB8] =	sst s10  }
0x35: {  	s10 =	sld [smem:$0x3FB7];
	_ =	sdelay $0x3  }
0x36: {  	p1 =	seq.s32 s10, $0x1;
	s10 =	sld [smem:$0x3FB8];
	_ =	sdelay $0x3  }
0x37: {  	[smem:$0x3FB8] =	sst s10  }
0x38: {  	s10 =	sld [smem:$0x3FB9]  }
0x39: {  	_ = 	snop;
	(pc) =	sbr.ind lr, $3  }
0x3a: {  	_ = 	snop  }
0x3b: {  	_ = 	snop  }
0x3c: {  	p2 =	seq.s32 s10, $0x1;
	s10 =	sld [smem:$0x3FB8]  }
0x3d: {  	_ =	shalt  }
0x3e: {  	_ =	shalt  }
0x3f: {  	_ =	shalt  }
0x40: {  	_ =	shalt  }
0x41: {  	_ =	shalt  }
0x42: {  	_ =	shalt  }
0x43: {  	_ =	shalt  }
0x44: {  	_ =	shalt  }
0x45: {  	_ =	shalt  }
0x46: {  	_ =	shalt  }
0x47: {  	_ =	shalt  }
0x48: {  	_ =	shalt  }
0x49: {  	_ =	shalt  }
0x4a: {  	_ =	shalt  }
0x4b: {  	_ =	shalt  }
0x4c: {  	_ =	shalt  }
0x4d: {  	_ =	shalt  }
0x4e: {  	_ =	shalt  }
0x4f: {  	_ =	shalt  }
0x50: {  	_ =	shalt  }
0x51: {  	_ =	shalt  }
0x52: {  	_ =	shalt  }
0x53: {  	_ =	shalt  }
0x54: {  	_ =	shalt  }
0x55: {  	_ =	shalt  }
0x56: {  	_ =	shalt  }
0x57: {  	_ =	shalt  }
0x58: {  	_ =	shalt  }
0x59: {  	_ =	shalt  }
0x5a: {  	_ =	shalt  }
0x5b: {  	_ =	shalt  }
0x5c: {  	_ =	shalt  }
0x5d: {  	_ =	shalt  }
0x5e: {  	_ =	shalt  }
0x5f: {  	_ =	shalt  }
0x60: {  	_ =	shalt  }
0x61: {  	_ =	shalt  }
0x62: {  	_ =	shalt  }
0x63: {  	_ =	shalt  }
0x64: {  	_ =	shalt  }
0x65: {  	_ =	shalt  }
0x66: {  	_ =	shalt  }
0x67: {  	_ =	shalt  }
0x68: {  	_ =	shalt  }
0x69: {  	_ =	shalt  }
0x6a: {  	_ =	shalt  }
0x6b: {  	_ =	shalt  }
0x6c: {  	_ =	shalt  }
0x6d: {  	_ =	shalt  }
0x6e: {  	_ =	shalt  }
0x6f: {  	_ =	shalt  }
0x70: {  	_ =	shalt  }
0x71: {  	_ =	shalt  }
0x72: {  	_ =	shalt  }
0x73: {  	_ =	shalt  }
0x74: {  	_ =	shalt  }
0x75: {  	_ =	shalt  }
0x76: {  	_ =	shalt  }
0x77: {  	_ =	shalt  }
0x78: {  	_ =	shalt  }
0x79: {  	_ =	shalt  }
0x7a: {  	_ =	shalt  }
0x7b: {  	_ =	shalt  }
0x7c: {  	_ =	shalt  }
0x7d: {  	_ =	shalt  }
0x7e: {  	_ =	shalt  }
0x7f: {  	_ =	shalt  }
0x80: {  	_ =	shalt  }
0x81: {  	_ =	shalt  }
0x82: {  	_ =	shalt  }
0x83: {  	_ =	shalt  }
0x84: {  	_ =	shalt  }
0x85: {  	_ =	shalt  }
0x86: {  	_ =	shalt  }
0x87: {  	_ =	shalt  }
.Lfunc_end0:
.L_simem_size_0:
called_computation_lowered:
.L_overlay_start_0:
0x88: {  	s2 =	sld [smem:$0x3FD9]  }
0x89: {  	s3 =	sld [smem:$0x3FFE];
	_ =	sdelay $0x1  }
0x8a: {  	s1 =	srdreg.scid  }
0x8b: {  	s0 =	sand.u32 $0x1, s1  }
0x8c: {  	s17 =	sshll.u32 s0, $0xA;
	s2 =	sadd.s32 s3, s2  }
0x8d: {  	s2 =	sadd.s32 s2, s17  }
0x8e: {  	[smem:$0x3FC4] =	sst s2  }
0x8f: {  	_ = 	snop  }
0x90: {  	s2 =	sld [smem:$0x3FC9]  }
0x91: {  	s18 =	sld [smem:$0x3FC6]  }
0x92: {  	s4 =	sld [smem:$0x3FD0];
	(tm) =	ssettm $0x1  }
0x93: {  	s5 =	sld [smem:$0x3FFB];
	_ =	sdelay $0x3  }
0x94: {  	_ =	strace s5  }
0x95: {  	s5 =	sld [smem:$0x3FFC];
	_ =	sdelay $0x3  }
0x96: {  	_ =	strace s5  }
0x97: {  	s5 =	sld [smem:$0x3FFD];
	_ =	sdelay $0x3  }
0x98: {  	_ =	strace s5  }
0x99: {  	_ =	strace $0x8FFFFFFF  }
0x9a: {  	s19 =	sld [smem:$0x3FDB];
	_ =	sdelay $0x1  }
0x9b: {  	s6 =	simm.s32 $_scs_section_size  }
0x9c: {  	s7 =	simm.s32 $_size__tile_overlayer_lowered;
	s8 =	simm.s32 $_tile_overlayer_lowered  }
0x9d: {  	s22 =	simm.s32 $0x1BFF;
	s21 =	sshll.u32 s8, $0x1;
	s5 =	sadd.s32 s6, s19  }
0x9e: {  	s9 =	simm.s32 $0x0;
	s20 =	sshll.u32 s7, $0x1;
	s7 =	sadd.s32 s21, s5  }
0x9f: {  	[timem:s9], [sflag:s22] =	dma.local [hbm:s7], s20  }
0xa0: {  	_ =	swait.ge [sflag:s22], s20  }
0xa1: {  	s6 =	ssub.s32 $0x0, s20;
	[sflag:s22] =	ssyncset.done $0x0  }
0xa2: {  	[sflag:s22] =	ssyncadd.s32 s6;
	_ =	sdelay $0x1  }
0xa3: {  	s23 =	simm.s32 $0x1B8B  }
0xa4: {  	_ =	swait.ge [sflag:s23], $0x1  }
0xa5: {  	[sflag:s23] =	ssyncset.done $0x0  }
0xa6: {  	s25 =	simm.s32 $0x1B8E;
	s24 =	sld [smem:$0x3FFE];
	[sflag:s23] =	ssyncadd.s32 $0xFFFFFFFF  }
0xa7: {  	s26 =	simm.s32 $execute0_lowered;
	[smem:$0x3FD2] =	sst s25  }
0xa8: {  	s7 =	sshll.u32 s26, $0x1;
	_ =	strace $0x80000046;
	[dreg:$0x1] =	wrdreg $0xFFFFFFFF  }
0xa9: {  	s28 =	simm.s32 $_size_execute0_lowered;
	s5 =	sadd.s32 s5, s7;
	[dreg:$0x0] =	wrdreg $0x0  }
0xaa: {  	s7 =	sshll.u32 s28, $0x1;
	[dreg:$0x2] =	wrdreg s5  }
0xab: {  	[dreg:$0x3] =	wrdreg s7  }
0xac: {  	[dreg:$0x4] =	wrdreg $0xC0  }
0xad: {  	_ =	task [dreg:s9], $0x5FFFF  }
0xae: {  	[dreg:$0x1] =	wrdreg $0xFFFFFFFF  }
0xaf: {  	[dreg:$0x0] =	wrdreg $0x60  }
0xb0: {  	[dreg:$0x2] =	wrdreg s2  }
0xb1: {  	[dreg:$0x3] =	wrdreg s24  }
0xb2: {  	[dreg:$0x4] =	wrdreg s18  }
0xb3: {  	[dreg:$0x5] =	wrdreg s4  }
0xb4: {  	[dreg:$0x6] =	wrdreg $0x9  }
0xb5: {  	_ =	task.clear_ibuf [dreg:s9], $0x7FFFF;
	_ =	strace $0x90000046  }
0xb6: {  	s29 =	simm.s32 $0x9;
	_ =	strace $0x80000048  }
0xb7: {  	_ =	swait.ge [sflag:s29], $0x1  }
0xb8: {  	[sflag:s29] =	ssyncadd.s32 $0xFFFFFFFF  }
0xb9: {  	_ =	strace $0x90000048  }
0xba: {  	_ =	sfence  }
0xbb: {  	s30 =	sld [smem:$0x0];
	_ =	sdelay $0x2  }
0xbc: {  	s31 =	sshll.u32 s1, $0xD;
	s1 =	sshrl.u32 s1, $0x2  }
0xbd: {  	s3 =	sand.u32 $0x4000, s31;
	s1 =	sadd.s32 s1, s30  }
0xbe: {  	s0 =	sor.u32 s3, s0;
	s1 =	sshll.u32 s1, $0x11  }
0xbf: {  	s0 =	sor.u32 s1, s0  }
0xc0: {  	s0 =	sadd.s32 $0x8F2B, s0  }
0xc1: {  	[sflag:s0] =	ssyncadd.remote.s32 $0x1  }
0xc2: {  	_ =	sfence.sel $0xFFFF  }
0xc3: {  	[dreg:$0x0] =	wrdreg $0xFFFFFFFF;
	(pc) =	sbr.abs _section_cstart, $3  }
0xc4: {  	[dreg:$0x1] =	wrdreg $0xFFFFFFFF  }
0xc5: {  	_ =	task.clear_ibuf [dreg:s9], $0x2FFFF;
	_ =	strace $0x9FFFFFFF  }
0xc6: {  	(tm) =	ssettm $0x7FFFFFFF  }
0xc7: {  	_ =	shalt  }
tec
execute0_lowered:
.L_overlay_start_1:
0x0: {  	(tag) =	ssettag $0x1  }
0x1: {  	s9 =	rddreg [dreg:$0x0]  }
0x2: {  	s0 =	rddreg [dreg:$0x1]  }
0x3: {  	s4 =	rddreg [dreg:$0x3]  }
0x4: {  	s1 =	srdreg.scid;
	s2 =	stileid.u32  }
0x5: {  	s5 =	simm.s32 $0x0;
	s14 =	simm.s32 $0x400;
	s15 =	simm.s32 $0x8000  }
0x6: {  	s16 =	simm.s32 $0x900;
	s12 =	simm.s32 $0x6D00;
	s20 =	simm.s32 $0x100  }
0x7: {  	s21 =	simm.s32 $0x500;
	s22 =	simm.s32 $0x1;
	s23 =	simm.s32 $0xD100  }
0x8: {  	s24 =	simm.s32 $0x2;
	s13 =	simm.s32 $0x13500;
	s1 =	sand.u32 $0x1, s1  }
0x9: {  	s2 =	sshll.u32 s2, $0xB;
	[smem:$0x7FF] =	sst s5;
	s3 =	sshll.u32 s1, $0xA  }
0xa: {  	s0 =	sadd.s32 $0x600, s0;
	s1 =	ssub.s32 $0x2, s1;
	s6 =	sor.u32 s3, s2  }
0xb: {  	_ =	strace $0x80000047;
	s26 =	sshrl.u32 s1, $0x1;
	s3 =	sshrl.u32 s6, $0x3  }
0xc: {  	[dreg:$0x5] =	wrdreg s0;
	s28 =	ssub.s32 s1, s26;
	s29 =	sadd.s32 s9, s3  }
0xd: {  	s17 =	simm.s32 $0x3;
	s0 =	smax.u32 s28, $0x1;
	[dreg:$0x6] =	wrdreg s29  }
0xe: {  	s31 =	sadd.s32 s3, s4;
	s30 =	sadd.s32 $0x19000, s29;
	[dreg:$0x9] =	wrdreg s0  }
0xf: {  	s10 =	sor.u32 $0x190000, s6;
	s1 =	sadd.s32 $0x64000, s31;
	[dreg:$0x7] =	wrdreg s30  }
0x10: {  	v0 =	vimm.f32 $1.000000000e+00;
	s11 =	sadd.s32 $0x4B000, s29;
	[dreg:$0x8] =	wrdreg s1;
	s1 =	simm.s32 $0x0  }
.LBB2_1:
0x11: {  	[dreg:$0xa] =	wrdreg s1  }
0x12: {  	s0 =	rddreg [dreg:$0x6]  }
0x13: {  	[tilespmem:s16], [sflag:$0x1] =	stream.strided.gather [hbm4b:s0+s14], $0x6400, s15, s14, $0x38;
	[tilespmem:$0x19900] =	vst v63  }
0x14: {  	s28 =	rddreg [dreg:$0x7]  }
0x15: {  	[tilespmem:s12], [sflag:$0x2] =	stream.strided.gather [hbm4b:s28+s14], $0x6400, s15, s14, $0x38;
	[tilespmem:$0x19900] =	vst v63  }
0x16: {  	s29 =	simm.s32 $0x0;
	s30 =	rddreg [dreg:$0x5];
	s2 =	simm.s32 $0x5  }
0x17: {  	[tilespmem:s29], [sflag:$0x5] =	stream.linear.gather [hbm4b:s30+s29], $0x80, $0x38;
	[tilespmem:$0x19900] =	vst v63  }
0x18: {  	_ =	swait.ge [sflag:s2], $0x80  }
0x19: {  	[sflag:s2] =	ssyncset.done $0x0  }
0x1a: {  	[sflag:s2] =	ssyncadd.s32 $0xFFFFFF80  }
0x1b: {  	s3 =	simm.s32 $0x80;
	s31 =	rddreg [dreg:$0x2]  }
0x1c: {  	[tilespmem:s3], [sflag:$0x5] =	stream.linear.gather [hbm4b:s31+s29], $0x32, $0x38;
	[tilespmem:$0x19900] =	vst v63  }
0x1d: {  	_ =	swait.ge [sflag:s2], $0x32  }
0x1e: {  	[sflag:s2] =	ssyncset.done $0x0  }
0x1f: {  	s1 =	simm.s32 $0x0;
	s0 =	simm.s32 $0x40;
	[sflag:s2] =	ssyncadd.s32 $0xFFFFFFCE  }
.LBB2_2:
0x20: {  	p0 =	sne.s32 s0, $0xF40;
	[tilespmem:s1+$0x100] =	vst v0;
	s2 =	smov.u32 s0;
	s0 =	sadd.s32 $0x40, s0  }
.Ltmp0:
0x21: {  	[tilespmem:s1+$0x500] =	vst v0;
	(pc) =	sbr.rel @p0 .LBB2_2-.Ltmp0, $2  }
0x22: {  	_ =	sdelay $0x2  }
0x23: {  	s1 =	sshra.s32 s2, $0x2  }
0x24: {  	[tilespmem:s1+$0x100] =	vst v0  }
0x25: {  	[tilespmem:s1+$0x500] =	vst v0  }
0x26: {  	v1 =	vld [tilespmem:$0x80];
	_ =	sdelay $0x2  }
0x27: {  	v2 =	vld [tilespmem:$0x0]  }
0x28: {  	v3 =	vld [tilespmem:$0x10];
	_ =	sdelay $0x3  }
0x29: {  	[tilespmem:v1+s20+$0x0] =	vst.idx.msk $0xffff, v2  }
0x2a: {  	[tilespmem:v1+s21+$0x0] =	vst.idx.msk $0xffff, v3  }
0x2b: {  	v1 =	vld [tilespmem:$0x90];
	_ =	sdelay $0x7  }
0x2c: {  	[tilespmem:v1+s20+$0x0] =	vst.idx.msk $0xffff, v2  }
0x2d: {  	[tilespmem:v1+s21+$0x0] =	vst.idx.msk $0xffff, v3  }
0x2e: {  	v1 =	vld [tilespmem:$0xA0];
	_ =	sdelay $0x7  }
0x2f: {  	[tilespmem:v1+s20+$0x0] =	vst.idx.msk $0xffff, v2  }
0x30: {  	[tilespmem:v1+s21+$0x0] =	vst.idx.msk $0xffff, v3  }
0x31: {  	v1 =	vld [tilespmem:$0xB0];
	_ =	sdelay $0x7  }
0x32: {  	[tilespmem:v1+s20+$0x0] =	vst.idx.msk $0x3, v2  }
0x33: {  	s2 =	simm.s32 $0x0;
	p0 =	por $0x1, $0x1;
	[tilespmem:v1+s21+$0x0] =	vst.idx.msk $0x3, v3  }
.LBB2_4:
0x34: {  	s0 =	smul.u32 $0x190, s2;
	_ =	swait.ge [sflag:s22], $0x6400  }
0x35: {  	[sflag:s22] =	ssyncset.done $0x0  }
0x36: {  	s1 =	simm.s32 @!p0 $0x3;
	v1 =	vmov s0;
	[sflag:s22] =	ssyncadd.s32 $0xFFFF9C00  }
0x37: {  	_ =	swait.ge @!p0 [sflag:s1], $0x6400  }
0x38: {  	[sflag:s1] =	ssyncset.done @!p0 $0x0  }
0x39: {  	s3 =	simm.s32 $0x0;
	[sflag:s1] =	ssyncadd.s32 @!p0 $0xFFFF9C00  }
0x3a: {  	v2 =	vld [tilespmem:s3+$0x970]  }
0x3b: {  	v4 =	vld.idx.msk [tilespmem:v1+s20+$0x0], $0xffff  }
0x3c: {  	v3 =	vld.idx.msk [tilespmem:v1+s21+$0x0], $0xffff  }
0x3d: {  	v1 =	vld [tilespmem:s3+$0x900]  }
0x3e: {  	s5 =	sadd.s32 $0x1, s0;
	v5 =	vld [tilespmem:s3+$0x910]  }
0x3f: {  	v6 =	vmov s5;
	v7 =	vld [tilespmem:s3+$0x920]  }
0x40: {  	v8 =	vld [tilespmem:s3+$0x930]  }
0x41: {  	v9 =	vld [tilespmem:s3+$0x940];
	v2 =	vmul.f32 v2, v4  }
0x42: {  	v11 =	vld [tilespmem:s3+$0x950];
	v10 =	vmul.f32 v1, v4  }
0x43: {  	v13 =	vld [tilespmem:s3+$0x960];
	v12 =	vmul.f32 v5, v4;
	v2 =	vadd.f32 v2, v3  }
0x44: {  	s1 =	simm.s32 $0x80;
	v1 =	vld.idx.msk [tilespmem:v6+s20+$0x0], $0xffff;
	v7 =	vmul.f32 v7, v4;
	v10 =	vadd.f32 v10, v3  }
0x45: {  	v5 =	vld [tilespmem:s1+$0x970];
	v8 =	vmul.f32 v8, v4;
	v12 =	vadd.f32 v12, v3;
	[tilespmem:s3+$0xD170] =	vst v2  }
0x46: {  	v9 =	vmul.f32 v9, v4;
	v2 =	vld.idx.msk [tilespmem:v6+s21+$0x0], $0xffff;
	[tilespmem:s3+$0xD100] =	vst v10;
	v10 =	vadd.f32 v7, v3  }
0x47: {  	v11 =	vmul.f32 v11, v4;
	v63 =	vadd.f32 v8, v3;
	v7 =	vld [tilespmem:s1+$0x900];
	[tilespmem:s3+$0xD110] =	vst v12  }
0x48: {  	s7 =	sadd.s32 $0x1, s5;
	v9 =	vadd.f32 v9, v3;
	v6 =	vld [tilespmem:s1+$0x910];
	[tilespmem:s3+$0xD120] =	vst v10;
	v10 =	vmul.f32 v13, v4  }
0x49: {  	s8 =	simm.s32 $0x600;
	s5 =	simm.s32 $0x400;
	v8 =	vld [tilespmem:s1+$0x920];
	v11 =	vadd.f32 v11, v3;
	[tilespmem:s3+$0xD130] =	vst v63;
	v4 =	vmov s7  }
.LBB2_5:
0x4a: {  	p1 =	sne.s32 s8, $0x18E00;
	v12 =	vld [tilespmem:s1+$0x930];
	v5 =	vmul.f32 v5, v1;
	[tilespmem:s3+$0xD140] =	vst v9;
	v13 =	vadd.f32 v10, v3;
	v10 =	vmov v1  }
0x4b: {  	v9 =	vld [tilespmem:s1+$0x940];
	[tilespmem:s3+$0xD150] =	vst v11  }
0x4c: {  	v3 =	vmov v2;
	v7 =	vmul.f32 v7, v10;
	v11 =	vld [tilespmem:s1+$0x950];
	v5 =	vadd.f32 v5, v2;
	[tilespmem:s3+$0xD160] =	vst v13;
	s3 =	smov.u32 s1  }
0x4d: {  	v2 =	vmul.f32 v6, v10;
	v13 =	vld [tilespmem:s3+$0x960]  }
0x4e: {  	s1 =	sshra.s32 s5, $0x2;
	s5 =	smov.u32 s8;
	v1 =	vld.idx.msk [tilespmem:v4+s20+$0x0], $0xffff;
	v6 =	vadd.f32 v7, v3;
	v7 =	vmul.f32 v8, v10;
	[tilespmem:s3+$0xD170] =	vst v5  }
.Ltmp1:
0x4f: {  	v5 =	vld [tilespmem:s1+$0x970];
	v8 =	vadd.f32 v2, v3;
	v12 =	vmul.f32 v12, v10;
	(pc) =	sbr.rel @p1 .LBB2_5-.Ltmp1, $4  }
0x50: {  	v2 =	vld.idx.msk [tilespmem:v4+s21+$0x0], $0xffff;
	[tilespmem:s3+$0xD100] =	vst v6;
	v4 =	vadd.f32 v7, v3;
	v9 =	vmul.f32 v9, v10  }
0x51: {  	v7 =	vld [tilespmem:s1+$0x900];
	[tilespmem:s3+$0xD110] =	vst v8;
	v12 =	vadd.f32 v12, v3;
	v11 =	vmul.f32 v11, v10  }
0x52: {  	s7 =	sadd.s32 $0x1, s7;
	v6 =	vld [tilespmem:s1+$0x910];
	[tilespmem:s3+$0xD120] =	vst v4;
	v9 =	vadd.f32 v9, v3;
	v10 =	vmul.f32 v13, v10  }
0x53: {  	s8 =	sadd.s32 $0x200, s8;
	v4 =	vmov s7;
	v8 =	vld [tilespmem:s1+$0x920];
	[tilespmem:s3+$0xD130] =	vst v12;
	v11 =	vadd.f32 v11, v3  }
0x54: {  	v12 =	vld [tilespmem:s1+$0x930]  }
0x55: {  	v13 =	vld [tilespmem:s1+$0x940]  }
0x56: {  	v14 =	vld [tilespmem:s1+$0x950]  }
0x57: {  	v5 =	vmul.f32 v5, v1;
	v15 =	vld [tilespmem:s1+$0x960]  }
0x58: {  	[tilespmem:s3+$0xD140] =	vst v9;
	v3 =	vadd.f32 v10, v3;
	v9 =	vld.idx.msk [tilespmem:v4+s20+$0x0], $0xffff;
	v7 =	vmul.f32 v7, v1  }
0x59: {  	s5 =	sshra.s32 s5, $0x2;
	v4 =	vld.idx.msk [tilespmem:v4+s21+$0x0], $0xffff;
	[tilespmem:s3+$0xD150] =	vst v11;
	v5 =	vadd.f32 v5, v2;
	v6 =	vmul.f32 v6, v1  }
0x5a: {  	v10 =	vld [tilespmem:s5+$0x970];
	[tilespmem:s3+$0xD160] =	vst v3;
	v3 =	vadd.f32 v7, v2;
	v7 =	vmul.f32 v8, v1  }
0x5b: {  	[tilespmem:s1+$0xD170] =	vst v5;
	v8 =	vld [tilespmem:s5+$0x900];
	v5 =	vadd.f32 v6, v2;
	v6 =	vmul.f32 v12, v1  }
0x5c: {  	v11 =	vld [tilespmem:s5+$0x910];
	[tilespmem:s1+$0xD100] =	vst v3;
	v3 =	vadd.f32 v7, v2;
	v7 =	vmul.f32 v13, v1  }
0x5d: {  	v60 =	vld [tilespmem:s5+$0x920];
	[tilespmem:s1+$0xD110] =	vst v5;
	v5 =	vadd.f32 v6, v2;
	v6 =	vmul.f32 v14, v1  }
0x5e: {  	v1 =	vmul.f32 v15, v1;
	[tilespmem:s1+$0xD120] =	vst v3;
	v3 =	vadd.f32 v7, v2;
	v7 =	vld [tilespmem:s5+$0x930]  }
0x5f: {  	[tilespmem:s1+$0xD130] =	vst v5;
	v5 =	vadd.f32 v6, v2;
	v6 =	vmul.f32 v10, v9;
	v10 =	vld [tilespmem:s5+$0x940]  }
0x60: {  	v1 =	vadd.f32 v1, v2;
	v2 =	vmul.f32 v8, v9;
	[tilespmem:s1+$0xD140] =	vst v3;
	v3 =	vld [tilespmem:s5+$0x950]  }
0x61: {  	v8 =	vld [tilespmem:s5+$0x960];
	[tilespmem:s1+$0xD150] =	vst v5;
	v5 =	vadd.f32 v6, v4;
	v6 =	vmul.f32 v11, v9  }
0x62: {  	[tilespmem:s1+$0xD160] =	vst v1;
	v1 =	vadd.f32 v2, v4;
	v2 =	vmul.f32 v60, v9  }
0x63: {  	[tilespmem:s5+$0xD170] =	vst v5;
	v5 =	vadd.f32 v6, v4;
	v6 =	vmul.f32 v7, v9  }
0x64: {  	[tilespmem:s5+$0xD100] =	vst v1;
	v1 =	vadd.f32 v2, v4;
	v2 =	vmul.f32 v10, v9  }
0x65: {  	[tilespmem:s5+$0xD110] =	vst v5;
	v5 =	vadd.f32 v6, v4;
	v3 =	vmul.f32 v3, v9  }
0x66: {  	s30 =	smul.u32 $0x190000, s2;
	[tilespmem:s5+$0xD120] =	vst v1;
	v1 =	vadd.f32 v2, v4;
	v2 =	vmul.f32 v8, v9  }
0x67: {  	[tilespmem:s5+$0xD130] =	vst v5;
	v3 =	vadd.f32 v3, v4  }
0x68: {  	s2 =	sor.u32 s6, s30;
	[tilespmem:s5+$0xD140] =	vst v1;
	v1 =	vadd.f32 v2, v4  }
0x69: {  	s2 =	sshrl.u32 s2, $0x3;
	s1 =	sadd.s32 s10, s30;
	[tilespmem:s5+$0xD150] =	vst v3  }
0x6a: {  	s2 =	sadd.s32 s4, s2;
	s1 =	sshrl.u32 s1, $0x3;
	[tilespmem:s5+$0xD160] =	vst v1  }
0x6b: {  	[hbm4b:s2+s14] =	stream.strided.scatter [tilespmem:s23], [sflag:$0x3], $0x6400, s15, s14, $0x38;
	[tilespmem:$0x19900] =	vst v63  }
0x6c: {  	s1 =	sadd.s32 s9, s1  }
0x6d: {  	[tilespmem:s16], [sflag:$0x1] =	stream.strided.gather [hbm4b:s1+s14], $0x6400, s15, s14, $0x38;
	[tilespmem:$0x19900] =	vst v63  }
0x6e: {  	s0 =	sadd.s32 $0xC8, s0;
	_ =	swait.ge [sflag:s24], $0x6400  }
0x6f: {  	v1 =	vmov s0;
	[sflag:s24] =	ssyncset.done $0x0  }
0x70: {  	s1 =	simm.s32 @!p0 $0x4;
	[sflag:s24] =	ssyncadd.s32 $0xFFFF9C00  }
0x71: {  	_ =	swait.ge @!p0 [sflag:s1], $0x6400  }
0x72: {  	[sflag:s1] =	ssyncset.done @!p0 $0x0  }
0x73: {  	[sflag:s1] =	ssyncadd.s32 @!p0 $0xFFFF9C00  }
0x74: {  	s2 =	simm.s32 $0x0;
	v4 =	vld.idx.msk [tilespmem:v1+s20+$0x0], $0xffff  }
0x75: {  	v2 =	vld [tilespmem:s2+$0x6D70]  }
0x76: {  	v3 =	vld.idx.msk [tilespmem:v1+s21+$0x0], $0xffff  }
0x77: {  	v1 =	vld [tilespmem:s2+$0x6D00]  }
0x78: {  	s31 =	sadd.s32 $0x1, s0;
	v5 =	vld [tilespmem:s2+$0x6D10]  }
0x79: {  	v6 =	vmov s31;
	v7 =	vld [tilespmem:s2+$0x6D20]  }
0x7a: {  	v8 =	vld [tilespmem:s2+$0x6D30]  }
0x7b: {  	v9 =	vld [tilespmem:s2+$0x6D40];
	v2 =	vmul.f32 v2, v4  }
0x7c: {  	v11 =	vld [tilespmem:s2+$0x6D50];
	v10 =	vmul.f32 v1, v4  }
0x7d: {  	v62 =	vld [tilespmem:s2+$0x6D60];
	v61 =	vmul.f32 v5, v4;
	v2 =	vadd.f32 v2, v3  }
0x7e: {  	s1 =	simm.s32 $0x80;
	v1 =	vld.idx.msk [tilespmem:v6+s20+$0x0], $0xffff;
	v7 =	vmul.f32 v7, v4;
	v10 =	vadd.f32 v10, v3  }
0x7f: {  	v5 =	vld [tilespmem:s1+$0x6D70];
	v8 =	vmul.f32 v8, v4;
	v12 =	vadd.f32 v61, v3;
	[tilespmem:s2+$0x13570] =	vst v2  }
0x80: {  	v9 =	vmul.f32 v9, v4;
	v2 =	vld.idx.msk [tilespmem:v6+s21+$0x0], $0xffff;
	[tilespmem:s2+$0x13500] =	vst v10;
	v10 =	vadd.f32 v7, v3  }
0x81: {  	v11 =	vmul.f32 v11, v4;
	v63 =	vadd.f32 v8, v3;
	v7 =	vld [tilespmem:s1+$0x6D00];
	[tilespmem:s2+$0x13510] =	vst v12  }
0x82: {  	s5 =	sadd.s32 $0x1, s31;
	v9 =	vadd.f32 v9, v3;
	v6 =	vld [tilespmem:s1+$0x6D10];
	[tilespmem:s2+$0x13520] =	vst v10;
	v10 =	vmul.f32 v62, v4  }
0x83: {  	s7 =	simm.s32 $0x600;
	s3 =	simm.s32 $0x400;
	v8 =	vld [tilespmem:s1+$0x6D20];
	v11 =	vadd.f32 v11, v3;
	[tilespmem:s2+$0x13530] =	vst v63;
	v4 =	vmov s5  }
.LBB2_7:
0x84: {  	p1 =	sne.s32 s7, $0x18E00;
	v12 =	vld [tilespmem:s1+$0x6D30];
	v5 =	vmul.f32 v5, v1;
	[tilespmem:s2+$0x13540] =	vst v9;
	v13 =	vadd.f32 v10, v3;
	v10 =	vmov v1  }
0x85: {  	v9 =	vld [tilespmem:s1+$0x6D40];
	[tilespmem:s2+$0x13550] =	vst v11  }
0x86: {  	v3 =	vmov v2;
	v7 =	vmul.f32 v7, v10;
	v11 =	vld [tilespmem:s1+$0x6D50];
	v5 =	vadd.f32 v5, v2;
	[tilespmem:s2+$0x13560] =	vst v13;
	s2 =	smov.u32 s1  }
0x87: {  	v2 =	vmul.f32 v6, v10;
	v13 =	vld [tilespmem:s2+$0x6D60]  }
0x88: {  	s1 =	sshra.s32 s3, $0x2;
	s3 =	smov.u32 s7;
	v1 =	vld.idx.msk [tilespmem:v4+s20+$0x0], $0xffff;
	v6 =	vadd.f32 v7, v3;
	v7 =	vmul.f32 v8, v10;
	[tilespmem:s2+$0x13570] =	vst v5  }
.Ltmp2:
0x89: {  	v5 =	vld [tilespmem:s1+$0x6D70];
	v8 =	vadd.f32 v2, v3;
	v12 =	vmul.f32 v12, v10;
	(pc) =	sbr.rel @p1 .LBB2_7-.Ltmp2, $4  }
0x8a: {  	v2 =	vld.idx.msk [tilespmem:v4+s21+$0x0], $0xffff;
	[tilespmem:s2+$0x13500] =	vst v6;
	v4 =	vadd.f32 v7, v3;
	v9 =	vmul.f32 v9, v10  }
0x8b: {  	v7 =	vld [tilespmem:s1+$0x6D00];
	[tilespmem:s2+$0x13510] =	vst v8;
	v12 =	vadd.f32 v12, v3;
	v11 =	vmul.f32 v11, v10  }
0x8c: {  	s5 =	sadd.s32 $0x1, s5;
	v6 =	vld [tilespmem:s1+$0x6D10];
	[tilespmem:s2+$0x13520] =	vst v4;
	v9 =	vadd.f32 v9, v3;
	v10 =	vmul.f32 v13, v10  }
0x8d: {  	s7 =	sadd.s32 $0x200, s7;
	v4 =	vmov s5;
	v8 =	vld [tilespmem:s1+$0x6D20];
	[tilespmem:s2+$0x13530] =	vst v12;
	v11 =	vadd.f32 v11, v3  }
0x8e: {  	v12 =	vld [tilespmem:s1+$0x6D30]  }
0x8f: {  	v13 =	vld [tilespmem:s1+$0x6D40]  }
0x90: {  	v14 =	vld [tilespmem:s1+$0x6D50]  }
0x91: {  	v5 =	vmul.f32 v5, v1;
	v15 =	vld [tilespmem:s1+$0x6D60]  }
0x92: {  	[tilespmem:s2+$0x13540] =	vst v9;
	v3 =	vadd.f32 v10, v3;
	v42 =	vld.idx.msk [tilespmem:v4+s20+$0x0], $0xffff;
	v7 =	vmul.f32 v7, v1  }
0x93: {  	s3 =	sshra.s32 s3, $0x2;
	v45 =	vld.idx.msk [tilespmem:v4+s21+$0x0], $0xffff;
	[tilespmem:s2+$0x13550] =	vst v11;
	v5 =	vadd.f32 v5, v2;
	v6 =	vmul.f32 v6, v1  }
0x94: {  	v48 =	vld [tilespmem:s3+$0x6D00];
	[tilespmem:s2+$0x13560] =	vst v3;
	v3 =	vadd.f32 v7, v2;
	v44 =	vmul.f32 v8, v1  }
0x95: {  	v43 =	vld [tilespmem:s3+$0x6D70];
	[tilespmem:s1+$0x13570] =	vst v5;
	v46 =	vadd.f32 v6, v2;
	v47 =	vmul.f32 v12, v1;
	v49 =	vmul.f32 v13, v1  }
0x96: {  	v53 =	vld [tilespmem:s3+$0x6D20];
	v52 =	vmul.f32 v14, v1;
	v1 =	vmul.f32 v15, v1;
	[tilespmem:s1+$0x13500] =	vst v3;
	v3 =	vadd.f32 v44, v2  }
0x97: {  	v50 =	vld [tilespmem:s3+$0x6D10];
	[tilespmem:s1+$0x13510] =	vst v46;
	v51 =	vadd.f32 v47, v2  }
0x98: {  	v57 =	vld [tilespmem:s3+$0x6D40];
	v1 =	vadd.f32 v1, v2;
	[tilespmem:s1+$0x13520] =	vst v3  }
0x99: {  	v54 =	vld [tilespmem:s3+$0x6D30];
	v55 =	vadd.f32 v52, v2;
	v3 =	vadd.f32 v49, v2;
	v2 =	vmul.f32 v48, v42;
	[tilespmem:s1+$0x13530] =	vst v51  }
0x9a: {  	v60 =	vld [tilespmem:s3+$0x6D60];
	v56 =	vmul.f32 v43, v42;
	[tilespmem:s1+$0x13560] =	vst v1  }
0x9b: {  	[tilespmem:s1+$0x13540] =	vst v3;
	v3 =	vld [tilespmem:s3+$0x6D50];
	v1 =	vadd.f32 v2, v45;
	v2 =	vmul.f32 v53, v42  }
0x9c: {  	v59 =	vmul.f32 v50, v42;
	v58 =	vadd.f32 v56, v45;
	[tilespmem:s1+$0x13550] =	vst v55  }
0x9d: {  	[tilespmem:s3+$0x13500] =	vst v1;
	v1 =	vadd.f32 v2, v45;
	v2 =	vmul.f32 v57, v42  }
0x9e: {  	v62 =	vmul.f32 v54, v42;
	v61 =	vadd.f32 v59, v45;
	[tilespmem:s3+$0x13570] =	vst v58  }
0x9f: {  	[tilespmem:s3+$0x13520] =	vst v1;
	v1 =	vadd.f32 v2, v45;
	v2 =	vmul.f32 v60, v42  }
0xa0: {  	v63 =	vadd.f32 v62, v45;
	[tilespmem:s3+$0x13510] =	vst v61;
	v3 =	vmul.f32 v3, v42  }
.Ltmp3:
0xa1: {  	s0 =	sshll.u32 s0, $0xC;
	[tilespmem:s3+$0x13540] =	vst v1;
	v1 =	vadd.f32 v2, v45;
	(pc) =	sbr.rel @!p0 .LBB2_10-.Ltmp3, $4  }
0xa2: {  	s0 =	sor.u32 s6, s0;
	[tilespmem:s3+$0x13530] =	vst v63;
	v3 =	vadd.f32 v3, v45  }
0xa3: {  	s0 =	sshrl.u32 s0, $0x3;
	[tilespmem:s3+$0x13560] =	vst v1  }
0xa4: {  	s0 =	sadd.s32 s4, s0;
	[tilespmem:s3+$0x13550] =	vst v3  }
0xa5: {  	[hbm4b:s0+s14] =	stream.strided.scatter [tilespmem:s13], [sflag:$0x4], $0x6400, s15, s14, $0x38;
	[tilespmem:$0x19900] =	vst v63  }
.Ltmp4:
0xa6: {  	(pc) =	sbr.rel .LBB2_4-.Ltmp4, $3  }
0xa7: {  	_ =	sdelay $0x1  }
0xa8: {  	[tilespmem:s12], [sflag:$0x2] =	stream.strided.gather [hbm4b:s11+s14], $0x6400, s15, s14, $0x38;
	[tilespmem:$0x19900] =	vst v63  }
0xa9: {  	s2 =	simm.s32 $0x1;
	p0 =	por $0x0, $0x0  }
.LBB2_10:
0xaa: {  	_ =	swait.ge [sflag:s22], $0x6400  }
0xab: {  	s0 =	simm.s32 $0x320;
	[sflag:s22] =	ssyncset.done $0x0  }
0xac: {  	v1 =	vmov s0;
	[sflag:s22] =	ssyncadd.s32 $0xFFFF9C00  }
0xad: {  	_ =	swait.ge [sflag:s17], $0x6400  }
0xae: {  	[sflag:s17] =	ssyncset.done $0x0  }
0xaf: {  	s26 =	simm.s32 $0x940;
	[sflag:s17] =	ssyncadd.s32 $0xFFFF9C00  }
0xb0: {  	v3 =	vld [tilespmem:s26+$0xFFFFFFC0]  }
0xb1: {  	v2 =	vld.idx.msk [tilespmem:v1+s20+$0x0], $0xffff;
	_ =	sdelay $0x1  }
0xb2: {  	v1 =	vld.idx.msk [tilespmem:v1+s21+$0x0], $0xffff  }
0xb3: {  	s8 =	simm.s32 $0x321  }
0xb4: {  	v5 =	vmov s8  }
0xb5: {  	v3 =	vmul.f32 v3, v2;
	_ =	sdelay $0x1  }
0xb6: {  	s2 =	simm.s32 $0x9C0;
	v3 =	vadd.f32 v3, v1  }
0xb7: {  	s30 =	simm.s32 $0xD140;
	v6 =	vld [tilespmem:s2+$0xFFFFFFC0]  }
0xb8: {  	v4 =	vld.idx.msk [tilespmem:v5+s20+$0x0], $0xffff;
	[tilespmem:s30+$0xFFFFFFC0] =	vst v3  }
0xb9: {  	v7 =	vld [tilespmem:s26+$0xFFFFFFD0]  }
0xba: {  	s9 =	simm.s32 $0x322;
	v3 =	vld.idx.msk [tilespmem:v5+s21+$0x0], $0xffff  }
0xbb: {  	v5 =	vmov s9;
	_ =	sdelay $0x1  }
0xbc: {  	v6 =	vmul.f32 v6, v4  }
0xbd: {  	s3 =	simm.s32 $0xA40;
	v7 =	vmul.f32 v7, v2  }
0xbe: {  	v9 =	vld [tilespmem:s3+$0xFFFFFFC0];
	v8 =	vadd.f32 v6, v3  }
0xbf: {  	s31 =	simm.s32 $0xD1C0;
	v6 =	vld.idx.msk [tilespmem:v5+s20+$0x0], $0xffff;
	v7 =	vadd.f32 v7, v1  }
0xc0: {  	v5 =	vld.idx.msk [tilespmem:v5+s21+$0x0], $0xffff;
	[tilespmem:s31+$0xFFFFFFC0] =	vst v8  }
0xc1: {  	[tilespmem:s30+$0xFFFFFFD0] =	vst v7;
	v7 =	vld [tilespmem:s2+$0xFFFFFFD0]  }
0xc2: {  	s12 =	simm.s32 $0x323;
	v8 =	vld [tilespmem:s26+$0xFFFFFFE0]  }
0xc3: {  	v10 =	vmov s12;
	_ =	sdelay $0x1  }
0xc4: {  	v9 =	vmul.f32 v9, v6  }
0xc5: {  	s19 =	simm.s32 $0xAC0;
	v7 =	vmul.f32 v7, v4  }
0xc6: {  	v12 =	vld [tilespmem:s19+$0xFFFFFFC0];
	v9 =	vadd.f32 v9, v5;
	v11 =	vmul.f32 v8, v2  }
0xc7: {  	s0 =	simm.s32 $0xD240;
	v8 =	vld.idx.msk [tilespmem:v10+s20+$0x0], $0xffff;
	v13 =	vadd.f32 v7, v3  }
0xc8: {  	[tilespmem:s0+$0xFFFFFFC0] =	vst v9;
	v7 =	vld.idx.msk [tilespmem:v10+s21+$0x0], $0xffff;
	v9 =	vadd.f32 v11, v1  }
0xc9: {  	v10 =	vld [tilespmem:s3+$0xFFFFFFD0];
	[tilespmem:s31+$0xFFFFFFD0] =	vst v13  }
0xca: {  	s1 =	simm.s32 $0x324;
	[tilespmem:s30+$0xFFFFFFE0] =	vst v9;
	v9 =	vld [tilespmem:s2+$0xFFFFFFE0]  }
0xcb: {  	v13 =	vmov s1;
	v11 =	vld [tilespmem:s26+$0xFFFFFFF0];
	_ =	sdelay $0x1  }
0xcc: {  	v12 =	vmul.f32 v12, v8  }
0xcd: {  	s5 =	simm.s32 $0xB40;
	v10 =	vmul.f32 v10, v6  }
0xce: {  	v14 =	vld [tilespmem:s5+$0xFFFFFFC0];
	v12 =	vadd.f32 v12, v7;
	v9 =	vmul.f32 v9, v4  }
0xcf: {  	s9 =	simm.s32 $0xD2C0;
	v15 =	vadd.f32 v10, v5;
	v10 =	vld.idx.msk [tilespmem:v13+s20+$0x0], $0xffff;
	v11 =	vmul.f32 v11, v2  }
0xd0: {  	[tilespmem:s9+$0xFFFFFFC0] =	vst v12;
	v12 =	vadd.f32 v9, v3;
	v9 =	vld.idx.msk [tilespmem:v13+s21+$0x0], $0xffff  }
0xd1: {  	[tilespmem:s0+$0xFFFFFFD0] =	vst v15;
	v13 =	vld [tilespmem:s19+$0xFFFFFFD0];
	v11 =	vadd.f32 v11, v1  }
0xd2: {  	s13 =	simm.s32 $0x325;
	[tilespmem:s31+$0xFFFFFFE0] =	vst v12;
	v12 =	vld [tilespmem:s3+$0xFFFFFFE0]  }
0xd3: {  	v15 =	vmov s13;
	[tilespmem:s30+$0xFFFFFFF0] =	vst v11;
	v11 =	vld [tilespmem:s2+$0xFFFFFFF0]  }
0xd4: {  	v16 =	vld [tilespmem:s26+$0x0]  }
0xd5: {  	v14 =	vmul.f32 v14, v10  }
0xd6: {  	s12 =	simm.s32 $0xBC0;
	v13 =	vmul.f32 v13, v8  }
0xd7: {  	v17 =	vld [tilespmem:s12+$0xFFFFFFC0];
	v14 =	vadd.f32 v14, v9;
	v12 =	vmul.f32 v12, v6  }
0xd8: {  	s7 =	simm.s32 $0xD340;
	v13 =	vadd.f32 v13, v7;
	v18 =	vmul.f32 v11, v4;
	v11 =	vld.idx.msk [tilespmem:v15+s20+$0x0], $0xffff  }
0xd9: {  	[tilespmem:s7+$0xFFFFFFC0] =	vst v14;
	v14 =	vadd.f32 v12, v5;
	v16 =	vmul.f32 v16, v2;
	v12 =	vld.idx.msk [tilespmem:v15+s21+$0x0], $0xffff  }
0xda: {  	[tilespmem:s9+$0xFFFFFFD0] =	vst v13;
	v15 =	vld [tilespmem:s5+$0xFFFFFFD0];
	v13 =	vadd.f32 v18, v3  }
0xdb: {  	s17 =	simm.s32 $0x326;
	[tilespmem:s0+$0xFFFFFFE0] =	vst v14;
	v14 =	vadd.f32 v16, v1;
	v16 =	vld [tilespmem:s19+$0xFFFFFFE0]  }
0xdc: {  	v18 =	vmov s17;
	[tilespmem:s31+$0xFFFFFFF0] =	vst v13;
	v13 =	vld [tilespmem:s3+$0xFFFFFFF0]  }
0xdd: {  	[tilespmem:s30+$0x0] =	vst v14;
	v19 =	vld [tilespmem:s2+$0x0]  }
0xde: {  	v14 =	vmul.f32 v17, v11;
	v17 =	vld [tilespmem:s26+$0x10]  }
0xdf: {  	s8 =	simm.s32 $0xC40;
	v15 =	vmul.f32 v15, v10  }
0xe0: {  	v21 =	vld [tilespmem:s8+$0xFFFFFFC0];
	v20 =	vadd.f32 v14, v12;
	v16 =	vmul.f32 v16, v8  }
0xe1: {  	s13 =	simm.s32 $0xD3C0;
	v14 =	vld.idx.msk [tilespmem:v18+s20+$0x0], $0xffff;
	v15 =	vadd.f32 v15, v9;
	v22 =	vmul.f32 v13, v6  }
0xe2: {  	[tilespmem:s13+$0xFFFFFFC0] =	vst v20;
	v13 =	vld.idx.msk [tilespmem:v18+s21+$0x0], $0xffff;
	v16 =	vadd.f32 v16, v7;
	v19 =	vmul.f32 v19, v4  }
0xe3: {  	[tilespmem:s7+$0xFFFFFFD0] =	vst v15;
	v18 =	vld [tilespmem:s12+$0xFFFFFFD0];
	v15 =	vadd.f32 v22, v5;
	v17 =	vmul.f32 v17, v2  }
0xe4: {  	s18 =	simm.s32 $0x327;
	[tilespmem:s9+$0xFFFFFFE0] =	vst v16;
	v16 =	vadd.f32 v19, v3;
	v19 =	vld [tilespmem:s5+$0xFFFFFFE0]  }
0xe5: {  	v20 =	vmov s18;
	[tilespmem:s0+$0xFFFFFFF0] =	vst v15;
	v15 =	vadd.f32 v17, v1;
	v17 =	vld [tilespmem:s19+$0xFFFFFFF0]  }
0xe6: {  	[tilespmem:s31+$0x0] =	vst v16;
	v22 =	vld [tilespmem:s3+$0x0]  }
0xe7: {  	[tilespmem:s30+$0x10] =	vst v15;
	v15 =	vmul.f32 v21, v14;
	v21 =	vld [tilespmem:s2+$0x10]  }
0xe8: {  	s18 =	simm.s32 $0xCC0;
	v16 =	vmul.f32 v18, v11;
	v18 =	vld [tilespmem:s26+$0x20]  }
0xe9: {  	v23 =	vld [tilespmem:s18+$0xFFFFFFC0];
	v15 =	vadd.f32 v15, v13;
	v19 =	vmul.f32 v19, v10  }
0xea: {  	s28 =	simm.s32 $0xD440;
	v24 =	vadd.f32 v16, v12;
	v16 =	vld.idx.msk [tilespmem:v20+s20+$0x0], $0xffff;
	v17 =	vmul.f32 v17, v8  }
0xeb: {  	[tilespmem:s28+$0xFFFFFFC0] =	vst v15;
	v19 =	vadd.f32 v19, v9;
	v22 =	vmul.f32 v22, v6;
	v15 =	vld.idx.msk [tilespmem:v20+s21+$0x0], $0xffff  }
0xec: {  	[tilespmem:s13+$0xFFFFFFD0] =	vst v24;
	v17 =	vadd.f32 v17, v7;
	v20 =	vmul.f32 v21, v4;
	v21 =	vld [tilespmem:s8+$0xFFFFFFD0]  }
0xed: {  	[tilespmem:s7+$0xFFFFFFE0] =	vst v19;
	v19 =	vadd.f32 v22, v5;
	v18 =	vmul.f32 v18, v2;
	v22 =	vld [tilespmem:s12+$0xFFFFFFE0]  }
0xee: {  	s25 =	simm.s32 $0x328;
	[tilespmem:s9+$0xFFFFFFF0] =	vst v17;
	v17 =	vadd.f32 v20, v3;
	v20 =	vld [tilespmem:s5+$0xFFFFFFF0]  }
0xef: {  	v24 =	vmov s25;
	[tilespmem:s0+$0x0] =	vst v19;
	v18 =	vadd.f32 v18, v1;
	v25 =	vld [tilespmem:s19+$0x0]  }
0xf0: {  	[tilespmem:s31+$0x10] =	vst v17;
	v17 =	vmul.f32 v23, v16;
	v23 =	vld [tilespmem:s3+$0x10]  }
0xf1: {  	[tilespmem:s30+$0x20] =	vst v18;
	v18 =	vmul.f32 v21, v14;
	v26 =	vld [tilespmem:s2+$0x20]  }
0xf2: {  	s1 =	simm.s32 $0xD40;
	v17 =	vadd.f32 v17, v15;
	v21 =	vmul.f32 v22, v11;
	v19 =	vld [tilespmem:s26+$0x30]  }
0xf3: {  	v22 =	vld [tilespmem:s1+$0xFFFFFFC0];
	s26 =	simm.s32 $0xD4C0;
	v27 =	vadd.f32 v18, v13;
	v20 =	vmul.f32 v20, v10  }
0xf4: {  	v18 =	vld.idx.msk [tilespmem:v24+s20+$0x0], $0xffff;
	[tilespmem:s26+$0xFFFFFFC0] =	vst v17;
	v28 =	vadd.f32 v21, v12;
	v29 =	vmul.f32 v25, v8  }
0xf5: {  	v17 =	vld.idx.msk [tilespmem:v24+s21+$0x0], $0xffff;
	[tilespmem:s28+$0xFFFFFFD0] =	vst v27;
	v24 =	vadd.f32 v20, v9;
	v21 =	vmul.f32 v23, v6  }
0xf6: {  	s29 =	simm.s32 $0xD40;
	s17 =	simm.s32 $0x329;
	v25 =	vld [tilespmem:s18+$0xFFFFFFD0];
	[tilespmem:s13+$0xFFFFFFE0] =	vst v28;
	v23 =	vadd.f32 v29, v7;
	v20 =	vmul.f32 v26, v4  }
.LBB2_11:
0xf7: {  	p0 =	sne.s32 s17, $0x3E7;
	v26 =	vld [tilespmem:s8+$0xFFFFFFE0];
	[tilespmem:s7+$0xFFFFFFF0] =	vst v24;
	v21 =	vadd.f32 v21, v5;
	v19 =	vmul.f32 v19, v2;
	v2 =	vmovc v4;
	v4 =	vmov v6;
	s25 =	smov.u32 s28;
	s28 =	smov.u32 s26  }
0xf8: {  	v6 =	vmovc v8;
	v8 =	vmovc v10;
	v10 =	vmov v11;
	v11 =	vmov v14;
	v24 =	vld [tilespmem:s12+$0xFFFFFFF0];
	[tilespmem:s9+$0x0] =	vst v23;
	v20 =	vadd.f32 v20, v3  }
0xf9: {  	v14 =	vmovc v16;
	v23 =	vmov s17;
	v27 =	vld [tilespmem:s5+$0x0];
	[tilespmem:s0+$0x10] =	vst v21;
	v19 =	vadd.f32 v19, v1;
	v1 =	vmovc v3;
	v3 =	vmov v5  }
0xfa: {  	v21 =	vmul.f32 v22, v18;
	v16 =	vmovc v18;
	v5 =	vmovc v7;
	v7 =	vmov v9;
	v9 =	vmov v12;
	v28 =	vld [tilespmem:s19+$0x10];
	[tilespmem:s31+$0x20] =	vst v20  }
0xfb: {  	v12 =	vmovc v13;
	v13 =	vmov v15;
	v15 =	vmov v17;
	v18 =	vmul.f32 v25, v14;
	v20 =	vld [tilespmem:s3+$0x20];
	[tilespmem:s30+$0x30] =	vst v19;
	s30 =	smov.u32 s31;
	s31 =	smov.u32 s0;
	s0 =	smov.u32 s9  }
.Ltmp5:
0xfc: {  	s1 =	sadd.s32 $0x80, s1;
	v17 =	vadd.f32 v21, v15;
	v21 =	vmul.f32 v26, v11;
	v19 =	vld [tilespmem:s2+$0x30];
	s2 =	smov.u32 s3;
	(pc) =	sbr.rel @p0 .LBB2_11-.Ltmp5, $4  }
0xfd: {  	s26 =	sadd.s32 $0x80, s26;
	s3 =	smov.u32 s19;
	s19 =	smov.u32 s5;
	v22 =	vld [tilespmem:s1+$0xFFFFFFC0];
	v25 =	vadd.f32 v18, v13;
	v24 =	vmul.f32 v24, v10  }
0xfe: {  	s5 =	smov.u32 s12;
	s12 =	smov.u32 s8;
	s8 =	smov.u32 s18;
	v18 =	vld.idx.msk [tilespmem:v23+s20+$0x0], $0xffff;
	[tilespmem:s26+$0xFFFFFFC0] =	vst v17;
	v26 =	vadd.f32 v21, v12;
	v27 =	vmul.f32 v27, v8  }
0xff: {  	s9 =	smov.u32 s7;
	s18 =	smov.u32 s29;
	s29 =	smov.u32 s1;
	v17 =	vld.idx.msk [tilespmem:v23+s21+$0x0], $0xffff;
	[tilespmem:s28+$0xFFFFFFD0] =	vst v25;
	v24 =	vadd.f32 v24, v9;
	v21 =	vmul.f32 v28, v6  }
0x100: {  	s17 =	sadd.s32 $0x1, s17;
	s7 =	smov.u32 s13;
	s13 =	smov.u32 s25;
	v25 =	vld [tilespmem:s18+$0xFFFFFFD0];
	[tilespmem:s25+$0xFFFFFFE0] =	vst v26;
	v23 =	vadd.f32 v27, v7;
	v20 =	vmul.f32 v20, v4  }
0x101: {  	_ =	sdelay $0x1  }
0x102: {  	v22 =	vmul.f32 v22, v18;
	_ =	sdelay $0x1  }
0x103: {  	v22 =	vadd.f32 v22, v17  }
0x104: {  	s1 =	sadd.s32 $0x80, s26  }
0x105: {  	[tilespmem:s1+$0xFFFFFFC0] =	vst v22  }
0x106: {  	v22 =	vld [tilespmem:s29+$0xFFFFFFD0];
	_ =	sdelay $0x3  }
0x107: {  	v25 =	vmul.f32 v25, v16  }
0x108: {  	v22 =	vmul.f32 v22, v18  }
0x109: {  	v25 =	vadd.f32 v25, v15  }
0x10a: {  	v22 =	vadd.f32 v22, v17  }
0x10b: {  	v26 =	vld [tilespmem:s8+$0xFFFFFFE0];
	[tilespmem:s26+$0xFFFFFFD0] =	vst v25  }
0x10c: {  	v25 =	vld [tilespmem:s18+$0xFFFFFFE0];
	[tilespmem:s1+$0xFFFFFFD0] =	vst v22  }
0x10d: {  	v22 =	vld [tilespmem:s29+$0xFFFFFFE0];
	_ =	sdelay $0x2  }
0x10e: {  	v26 =	vmul.f32 v26, v14  }
0x10f: {  	v25 =	vmul.f32 v25, v16  }
0x110: {  	v26 =	vadd.f32 v26, v13;
	v22 =	vmul.f32 v22, v18  }
0x111: {  	v25 =	vadd.f32 v25, v15  }
0x112: {  	v27 =	vld [tilespmem:s12+$0xFFFFFFF0];
	[tilespmem:s28+$0xFFFFFFE0] =	vst v26;
	v22 =	vadd.f32 v22, v17  }
0x113: {  	v26 =	vld [tilespmem:s8+$0xFFFFFFF0];
	[tilespmem:s26+$0xFFFFFFE0] =	vst v25  }
0x114: {  	v25 =	vld [tilespmem:s18+$0xFFFFFFF0];
	[tilespmem:s1+$0xFFFFFFE0] =	vst v22  }
0x115: {  	v22 =	vld [tilespmem:s29+$0xFFFFFFF0];
	_ =	sdelay $0x1  }
0x116: {  	v27 =	vmul.f32 v27, v11  }
0x117: {  	v26 =	vmul.f32 v26, v14  }
0x118: {  	v27 =	vadd.f32 v27, v12;
	v25 =	vmul.f32 v25, v16  }
0x119: {  	[tilespmem:s7+$0xFFFFFFF0] =	vst v24;
	v60 =	vadd.f32 v26, v13;
	v22 =	vmul.f32 v22, v18  }
0x11a: {  	v61 =	vld [tilespmem:s5+$0x0];
	[tilespmem:s13+$0xFFFFFFF0] =	vst v27;
	v25 =	vadd.f32 v25, v15  }
0x11b: {  	v27 =	vld [tilespmem:s12+$0x0];
	[tilespmem:s28+$0xFFFFFFF0] =	vst v60;
	v22 =	vadd.f32 v22, v17  }
0x11c: {  	v24 =	vld [tilespmem:s8+$0x0];
	[tilespmem:s26+$0xFFFFFFF0] =	vst v25  }
0x11d: {  	v25 =	vld [tilespmem:s18+$0x0];
	[tilespmem:s1+$0xFFFFFFF0] =	vst v22  }
0x11e: {  	v22 =	vld [tilespmem:s29+$0x0]  }
0x11f: {  	v26 =	vmul.f32 v61, v10  }
0x120: {  	v27 =	vmul.f32 v27, v11  }
0x121: {  	v26 =	vadd.f32 v26, v9;
	v24 =	vmul.f32 v24, v14  }
0x122: {  	[tilespmem:s9+$0x0] =	vst v23;
	v62 =	vadd.f32 v27, v12;
	v25 =	vmul.f32 v25, v16  }
0x123: {  	v63 =	vld [tilespmem:s19+$0x10];
	[tilespmem:s7+$0x0] =	vst v26;
	v24 =	vadd.f32 v24, v13;
	v22 =	vmul.f32 v22, v18  }
0x124: {  	[tilespmem:s13+$0x0] =	vst v62;
	v26 =	vld [tilespmem:s5+$0x10];
	v30 =	vadd.f32 v25, v15  }
0x125: {  	v31 =	vld [tilespmem:s12+$0x10];
	[tilespmem:s28+$0x0] =	vst v24;
	v22 =	vadd.f32 v22, v17  }
0x126: {  	v24 =	vld [tilespmem:s8+$0x10];
	[tilespmem:s26+$0x0] =	vst v30  }
0x127: {  	v23 =	vld [tilespmem:s18+$0x10];
	[tilespmem:s1+$0x0] =	vst v22  }
0x128: {  	v32 =	vmul.f32 v63, v8;
	v33 =	vld [tilespmem:s29+$0x10]  }
0x129: {  	v21 =	vadd.f32 v21, v5;
	v26 =	vmul.f32 v26, v10  }
0x12a: {  	v25 =	vmul.f32 v31, v11;
	v22 =	vadd.f32 v32, v7  }
0x12b: {  	[tilespmem:s0+$0x10] =	vst v21;
	v34 =	vadd.f32 v26, v9;
	v24 =	vmul.f32 v24, v14  }
0x12c: {  	v35 =	vld [tilespmem:s3+$0x20];
	v36 =	vadd.f32 v25, v12;
	v23 =	vmul.f32 v23, v16;
	[tilespmem:s9+$0x10] =	vst v22  }
0x12d: {  	[tilespmem:s7+$0x10] =	vst v34;
	v38 =	vadd.f32 v24, v13;
	v37 =	vld [tilespmem:s19+$0x20];
	v39 =	vmul.f32 v33, v18  }
0x12e: {  	v40 =	vld [tilespmem:s5+$0x20];
	[tilespmem:s13+$0x10] =	vst v36;
	v41 =	vadd.f32 v23, v15  }
0x12f: {  	[tilespmem:s28+$0x10] =	vst v38;
	v42 =	vld [tilespmem:s12+$0x20];
	v43 =	vadd.f32 v39, v17  }
0x130: {  	v44 =	vld [tilespmem:s8+$0x20];
	[tilespmem:s26+$0x10] =	vst v41  }
0x131: {  	v45 =	vmul.f32 v35, v6;
	v46 =	vld [tilespmem:s18+$0x20];
	[tilespmem:s1+$0x10] =	vst v43  }
0x132: {  	v20 =	vadd.f32 v20, v3;
	v47 =	vmul.f32 v37, v8;
	v48 =	vld [tilespmem:s29+$0x20]  }
0x133: {  	v27 =	vmul.f32 v40, v10;
	v22 =	vadd.f32 v45, v5  }
0x134: {  	[tilespmem:s31+$0x20] =	vst v20;
	v50 =	vmul.f32 v42, v11;
	v49 =	vadd.f32 v47, v7  }
0x135: {  	v51 =	vld [tilespmem:s2+$0x30];
	v52 =	vadd.f32 v27, v9;
	v24 =	vmul.f32 v44, v14;
	[tilespmem:s0+$0x20] =	vst v22  }
0x136: {  	v21 =	vadd.f32 v50, v12;
	v53 =	vld [tilespmem:s3+$0x30];
	v26 =	vmul.f32 v46, v16;
	[tilespmem:s9+$0x20] =	vst v49  }
0x137: {  	[tilespmem:s7+$0x20] =	vst v52;
	v24 =	vadd.f32 v24, v13;
	v54 =	vld [tilespmem:s19+$0x30];
	v25 =	vmul.f32 v48, v18  }
0x138: {  	v55 =	vld [tilespmem:s5+$0x30];
	[tilespmem:s13+$0x20] =	vst v21;
	v26 =	vadd.f32 v26, v15  }
0x139: {  	v2 =	vmul.f32 v19, v2;
	[tilespmem:s28+$0x20] =	vst v24;
	v56 =	vld [tilespmem:s12+$0x30];
	v57 =	vadd.f32 v25, v17  }
0x13a: {  	v4 =	vmul.f32 v51, v4;
	v58 =	vld [tilespmem:s8+$0x30];
	[tilespmem:s26+$0x20] =	vst v26  }
0x13b: {  	v1 =	vadd.f32 v2, v1;
	v2 =	vmul.f32 v53, v6;
	v59 =	vld [tilespmem:s18+$0x30];
	[tilespmem:s1+$0x20] =	vst v57  }
0x13c: {  	v3 =	vadd.f32 v4, v3;
	v60 =	vmul.f32 v54, v8;
	v61 =	vld [tilespmem:s29+$0x30]  }
0x13d: {  	[tilespmem:s30+$0x30] =	vst v1;
	v1 =	vadd.f32 v2, v5;
	v2 =	vmul.f32 v55, v10  }
0x13e: {  	[tilespmem:s31+$0x30] =	vst v3;
	v62 =	vmul.f32 v56, v11;
	v3 =	vadd.f32 v60, v7  }
0x13f: {  	[tilespmem:s0+$0x30] =	vst v1;
	v1 =	vadd.f32 v2, v9;
	v2 =	vmul.f32 v58, v14  }
0x140: {  	v63 =	vmul.f32 v59, v16;
	[tilespmem:s9+$0x30] =	vst v3;
	v3 =	vadd.f32 v62, v12  }
0x141: {  	[tilespmem:s7+$0x30] =	vst v1;
	v1 =	vadd.f32 v2, v13;
	v2 =	vmul.f32 v61, v18  }
0x142: {  	[tilespmem:s13+$0x30] =	vst v3;
	v3 =	vadd.f32 v63, v15  }
0x143: {  	[tilespmem:s28+$0x30] =	vst v1;
	v1 =	vadd.f32 v2, v17  }
0x144: {  	[tilespmem:s26+$0x30] =	vst v3  }
0x145: {  	[tilespmem:s1+$0x30] =	vst v1  }
0x146: {  	s29 =	simm.s32 $0x4;
	s0 =	rddreg [dreg:$0x8]  }
0x147: {  	[hbm4b:s0+s14] =	stream.strided.scatter [tilespmem:s23], [sflag:$0x3], $0x6400, s15, s14, $0x38;
	[tilespmem:$0x19900] =	vst v63  }
0x148: {  	_ =	swait.ge [sflag:s29], $0x6400  }
0x149: {  	[sflag:s29] =	ssyncset.done $0x0  }
0x14a: {  	s17 =	simm.s32 $0x3;
	[sflag:s29] =	ssyncadd.s32 $0xFFFF9C00  }
0x14b: {  	_ =	swait.ge [sflag:s17], $0x6400  }
0x14c: {  	s30 =	rddreg [dreg:$0xa]  }
0x14d: {  	s31 =	rddreg [dreg:$0x9];
	s1 =	sadd.s32 $0x1, s30  }
0x14e: {  	p0 =	sne.s32 s1, s31  }
.Ltmp6:
0x14f: {  	_ = 	snop;
	(pc) =	sbr.rel @p0 .LBB2_1-.Ltmp6, $4  }
0x150: {  	_ = 	snop  }
0x151: {  	[sflag:s17] =	ssyncset.done $0x0  }
0x152: {  	[sflag:s17] =	ssyncadd.s32 $0xFFFF9C00  }
0x153: {  	s12 =	simm.s32 $0x6D00;
	s13 =	simm.s32 $0x13500;
	s9 =	rddreg [dreg:$0x0]  }
0x154: {  	_ =	sfence.sel $0x180000  }
0x155: {  	[bflag:$0x0] =	sbarrier.arrive $0xFFFF  }
0x156: {  	_ =	strace $0x90000047  }
0x157: {  	s0 =	stileid.u32;
	[bflag:$0x2] =	sbarrier.arrive $0xFFFF  }
0x158: {  	p0 =	sne.s32 s0, $0x0;
	s0 =	rddreg [dreg:$0x4]  }
0x159: {  	s0 =	sadd.s32 @!p0 $0x100000, s0  }
0x15a: {  	[sflag:s0] =	ssyncadd.tile.s32 @!p0 $0x1;
	_ =	shalt  }
.Lfunc_end2:
_tile_overlayer_lowered:
.L_overlay_start_2:
0x15b: {  	(tag) =	ssettag $0x2  }
0x15c: {  	s0 =	rddreg [dreg:$0x0];
	s2 =	stileid.u32  }
0x15d: {  	s1 =	rddreg [dreg:$0x1];
	p0 =	sne.s32 s2, $0x0  }
0x15e: {  	s3 =	rddreg [dreg:$0x2];
	[bflag:$0x3] =	sbarrier.arrive $0xFFFF;
	s2 =	simm.s32 @!p0 $0x1C05  }
0x15f: {  	[timem:s3], [sflag:s2] =	dma.local @!p0 [hbm:s0], s1  }
0x160: {  	s0 =	simm.s32 @!p0 $0x5  }
0x161: {  	_ =	swait.ge @!p0 [sflag:s0], s1  }
0x162: {  	s1 =	ssub.s32 @!p0 $0x0, s1;
	[sflag:s0] =	ssyncset.done @!p0 $0x0  }
0x163: {  	[sflag:s0] =	ssyncadd.s32 @!p0 s1  }
0x164: {  	[bflag:$0x3] =	sbarrier.arrive $0xFFFF  }
0x165: {  	_ =	shalt  }

</sc_bundles>
